<compile_context>
chip_gen: v7x
topology: tpu7x:2x2x1
jax: 0.10.2.dev20260603
libtpu: 0.0.44.dev20260713+nightly
codegen_flags: <defaults>
</compile_context>

<pallas_src>
import functools

import jax
import jax.numpy as jnp
from jax import lax
from jax.experimental import pallas as pl
from jax.experimental.pallas import tpu as pltpu
from jax.experimental.pallas import tpu_sc as plsc

D = 32
F = 32
B = 16384
U_TAB = 1000000
_FOLD = 4
DF = D * _FOLD
_RT = U_TAB // _FOLD

_UBLK = 16384
_QB = _UBLK // _FOLD
_NBLK = pl.cdiv(U_TAB, _UBLK)
_RT_OUT = _NBLK * _QB


def _fold_body(src_ref, dst_ref):
    x = src_ref[...]
    parts = [jnp.transpose(x[:, j * _QB:(j + 1) * _QB]) for j in range(_FOLD)]
    dst_ref[...] = jnp.concatenate(parts, axis=1)


def _fold_call(embT):
    return pl.pallas_call(
        _fold_body,
        grid=(_NBLK,),
        in_specs=[pl.BlockSpec((D, _UBLK), lambda i: (0, i))],
        out_specs=pl.BlockSpec((_QB, DF), lambda i: (i, 0)),
        out_shape=jax.ShapeDtypeStruct((_RT_OUT, DF), jnp.float32),
        compiler_params=pltpu.CompilerParams(
            dimension_semantics=("arbitrary",)),
    )(embT)

_NC, _NS = 2, 16
_NW = _NC * _NS
_BPW = B // _NW
_HALF = _BPW // 2


def _sc_gather(uidsf, iidsf, uids, iids, uemb4, iemb4, ult, ilt,
               out_u4, out_i4, out_ult, out_ilt,
               uidx_v, iidx_v, uf_v, if_v, urows_v, irows_v, ultv, iltv,
               sem, semt):
    wid = lax.axis_index("s") * _NC + lax.axis_index("c")
    base = wid * _BPW
    pltpu.sync_copy(uids.at[pl.ds(base, _BPW)], uidx_v)
    pltpu.sync_copy(iids.at[pl.ds(base, _BPW)], iidx_v)
    ct1 = pltpu.async_copy(ult.at[uidx_v], ultv, semt)
    ct2 = pltpu.async_copy(ilt.at[iidx_v], iltv, semt)
    for p in range(2):
        off = base + p * _HALF
        pltpu.sync_copy(uidsf.at[pl.ds(off, _HALF)], uf_v)
        pltpu.sync_copy(iidsf.at[pl.ds(off, _HALF)], if_v)
        c1 = pltpu.async_copy(uemb4.at[uf_v], urows_v, sem)
        c2 = pltpu.async_copy(iemb4.at[if_v], irows_v, sem)
        c1.wait()
        c2.wait()
        pltpu.sync_copy(urows_v, out_u4.at[pl.ds(off, _HALF)])
        pltpu.sync_copy(irows_v, out_i4.at[pl.ds(off, _HALF)])
    ct1.wait()
    ct2.wait()
    pltpu.sync_copy(ultv, out_ult.at[pl.ds(base, _BPW)])
    pltpu.sync_copy(iltv, out_ilt.at[pl.ds(base, _BPW)])


_gather_call = functools.partial(
    pl.kernel,
    mesh=plsc.VectorSubcoreMesh(core_axis_name="c", subcore_axis_name="s",
                                num_cores=_NC, num_subcores=_NS),
    out_type=[
        jax.ShapeDtypeStruct((B, DF), jnp.float32),
        jax.ShapeDtypeStruct((B, DF), jnp.float32),
        jax.ShapeDtypeStruct((B,), jnp.float32),
        jax.ShapeDtypeStruct((B,), jnp.float32),
    ],
    scratch_types=[
        pltpu.VMEM((_BPW,), jnp.int32),
        pltpu.VMEM((_BPW,), jnp.int32),
        pltpu.VMEM((_HALF,), jnp.int32),
        pltpu.VMEM((_HALF,), jnp.int32),
        pltpu.VMEM((_HALF, DF), jnp.float32),
        pltpu.VMEM((_HALF, DF), jnp.float32),
        pltpu.VMEM((_BPW,), jnp.float32),
        pltpu.VMEM((_BPW,), jnp.float32),
        pltpu.SemaphoreType.DMA,
        pltpu.SemaphoreType.DMA,
    ],
    compiler_params=pltpu.CompilerParams(use_tc_tiling_on_sc=False),
)(_sc_gather)

_BB = 2048


def _dense_body(qt_ref, ts_ref, ult_ref, ilt_ref, uid_ref, iid_ref,
                u4_ref, i4_ref, f_ref, tpw_ref, w_ref, b_ref,
                nu_ref, ni_ref, pred_ref):
    tpw = tpw_ref[...]
    ts = jnp.transpose(ts_ref[...])
    ult = jnp.transpose(ult_ref[...])
    ilt = jnp.transpose(ilt_ref[...])
    qt = qt_ref[0, 0]
    u4 = u4_ref[...]
    i4 = i4_ref[...]
    urem = (jnp.transpose(uid_ref[...]) >> 12) & (_FOLD - 1)
    irem = (jnp.transpose(iid_ref[...]) >> 12) & (_FOLD - 1)
    u = jnp.zeros_like(u4[:, :D])
    it = jnp.zeros_like(u)
    for r in range(_FOLD):
        u = u + jnp.where(urem == r, u4[:, r * D:(r + 1) * D], 0.0)
        it = it + jnp.where(irem == r, i4[:, r * D:(r + 1) * D], 0.0)
    us = u * (1.0 + (ts - ult) * tpw)
    isc = it * (1.0 + (ts - ilt) * tpw)
    ps = u * (1.0 + (qt - ult) * tpw)
    z = jnp.concatenate([us, isc, f_ref[...], ps], axis=1)
    out = jnp.dot(z, w_ref[...], preferred_element_type=jnp.float32,
                  precision=jax.lax.Precision.HIGHEST)
    out = out + b_ref[...]
    nu_ref[...] = jnp.tanh(out[:, :D])
    ni_ref[...] = jnp.tanh(out[:, D:2 * D])
    pred_ref[...] = out[:, 2 * D:3 * D]


def _dense_call(qt, ts, ultc, iltc, uid2, iid2, u4, i4, features,
                tpw_row, w_all, b_all):
    grid = (B // _BB,)
    col = lambda ib: (ib, 0)
    fixed = lambda ib: (0, 0)
    return pl.pallas_call(
        _dense_body,
        grid=grid,
        in_specs=[
            pl.BlockSpec(memory_space=pltpu.SMEM),
            pl.BlockSpec((1, _BB), lambda ib: (0, ib)),
            pl.BlockSpec((1, _BB), lambda ib: (0, ib)),
            pl.BlockSpec((1, _BB), lambda ib: (0, ib)),
            pl.BlockSpec((1, _BB), lambda ib: (0, ib)),
            pl.BlockSpec((1, _BB), lambda ib: (0, ib)),
            pl.BlockSpec((_BB, DF), col),
            pl.BlockSpec((_BB, DF), col),
            pl.BlockSpec((_BB, F), col),
            pl.BlockSpec((1, D), fixed),
            pl.BlockSpec((4 * D, 3 * D), fixed),
            pl.BlockSpec((1, 3 * D), fixed),
        ],
        out_specs=[
            pl.BlockSpec((_BB, D), col),
            pl.BlockSpec((_BB, D), col),
            pl.BlockSpec((_BB, D), col),
        ],
        out_shape=[
            jax.ShapeDtypeStruct((B, D), jnp.float32),
            jax.ShapeDtypeStruct((B, D), jnp.float32),
            jax.ShapeDtypeStruct((B, D), jnp.float32),
        ],
        compiler_params=pltpu.CompilerParams(
            dimension_semantics=("arbitrary",)),
    )(qt, ts, ultc, iltc, uid2, iid2, u4, i4, features, tpw_row, w_all, b_all)


def kernel(user_ids, item_ids, timestamps, features, query_time,
           user_embeddings, item_embeddings, user_last_time, item_last_time,
           time_proj_w, Wp, bp,
           W_ih_u, W_hh_u, b_ih_u, b_hh_u,
           W_ih_i, W_hh_i, b_ih_i, b_hh_i):
    uemb4 = _fold_call(user_embeddings.T)
    iemb4 = _fold_call(item_embeddings.T)
    uidsf = ((user_ids >> 14) << 12) | (user_ids & 4095)
    iidsf = ((item_ids >> 14) << 12) | (item_ids & 4095)

    u4, i4, ult, ilt = _gather_call(
        uidsf, iidsf, user_ids, item_ids, uemb4, iemb4,
        user_last_time, item_last_time)

    zeros = jnp.zeros((D, D), jnp.float32)
    wu = jnp.concatenate([W_ih_u[:, :D].T + W_hh_u.T,
                          W_ih_u[:, D:2 * D].T,
                          W_ih_u[:, 2 * D:].T,
                          zeros], axis=0)
    wi = jnp.concatenate([W_ih_i[:, D:2 * D].T,
                          W_ih_i[:, :D].T + W_hh_i.T,
                          W_ih_i[:, 2 * D:].T,
                          zeros], axis=0)
    wp = jnp.concatenate([zeros, zeros, zeros, Wp.T], axis=0)
    w_all = jnp.concatenate([wu, wi, wp], axis=1)
    b_all = jnp.concatenate([b_ih_u + b_hh_u, b_ih_i + b_hh_i, bp])[None, :]

    qt = jnp.full((1, 1), query_time, jnp.float32)
    ts = timestamps[None, :]
    tpw_row = time_proj_w.T

    nu, ni, pred = _dense_call(qt, ts, ult[None, :], ilt[None, :],
                               user_ids[None, :], item_ids[None, :],
                               u4, i4, features, tpw_row, w_all, b_all)
    return (pred, nu, ni)

# --- scband reference (transcript-rebuilt; emitter-appended) ---
"""Pipeline reference for scband-jodiernn-71511205479166 (READ-ONLY COPY).

The authoritative reference and input builder live on the scoring server;
editing this copy changes nothing except your own understanding.
"""

import jax, jax.numpy as jnp
import numpy as np

U = 1000000
I = 1000000
D = 32
F = 32
B = 16384
RNN_IN = 2 * D + F

def setup_inputs(seed: int = 0) -> dict:
    key = jax.random.key(seed)
    ks = jax.random.split(key, 24)
    inp = {}
    # forward args
    inp['user_ids'] = jax.random.randint(ks[0], (B,), 0, U, dtype=jnp.int32)
    inp['item_ids'] = jax.random.randint(ks[1], (B,), 0, I, dtype=jnp.int32)
    inp['timestamps'] = jax.random.uniform(ks[2], (B,), dtype=jnp.float32, minval=500.0, maxval=1000.0)
    inp['features'] = jax.random.normal(ks[3], (B, F), dtype=jnp.float32)
    inp['query_time'] = 1000.0
    # runtime state buffers (non-trainable in torch)
    inp['user_embeddings'] = jax.random.normal(ks[4], (U, D), dtype=jnp.float32) * 0.1
    inp['item_embeddings'] = jax.random.normal(ks[5], (I, D), dtype=jnp.float32) * 0.1
    inp['user_last_time'] = jax.random.uniform(ks[6], (U,), dtype=jnp.float32, minval=0.0, maxval=500.0)
    inp['item_last_time'] = jax.random.uniform(ks[7], (I,), dtype=jnp.float32, minval=0.0, maxval=500.0)
    # learned parameters (xavier-ish init)
    def xav(k, shape):
        fan_in, fan_out = shape[1], shape[0]
        lim = float(np.sqrt(6.0 / (fan_in + fan_out)))
        return jax.random.uniform(k, shape, dtype=jnp.float32, minval=-lim, maxval=lim)
    inp['time_proj_w'] = xav(ks[8], (D, 1))
    inp['Wp'] = xav(ks[9], (D, D))
    inp['bp'] = jnp.zeros((D,), dtype=jnp.float32)
    inp['W_ih_u'] = xav(ks[10], (D, RNN_IN))
    inp['W_hh_u'] = xav(ks[11], (D, D))
    inp['b_ih_u'] = jnp.zeros((D,), dtype=jnp.float32)
    inp['b_hh_u'] = jnp.zeros((D,), dtype=jnp.float32)
    inp['W_ih_i'] = xav(ks[12], (D, RNN_IN))
    inp['W_hh_i'] = xav(ks[13], (D, D))
    inp['b_ih_i'] = jnp.zeros((D,), dtype=jnp.float32)
    inp['b_hh_i'] = jnp.zeros((D,), dtype=jnp.float32)
    return inp


def reference(user_ids, item_ids, timestamps, features, query_time,
              user_embeddings, item_embeddings, user_last_time, item_last_time,
              time_proj_w, Wp, bp,
              W_ih_u, W_hh_u, b_ih_u, b_hh_u,
              W_ih_i, W_hh_i, b_ih_i, b_hh_i):
    # ---- predict(user_ids, query_time) ----
    u_emb_p = jnp.take(user_embeddings, user_ids, axis=0)
    delta_q = (query_time - jnp.take(user_last_time, user_ids, axis=0))[:, None]
    time_factor_q = delta_q @ time_proj_w.T
    projected = u_emb_p * (1.0 + time_factor_q)
    pred_item_emb = projected @ Wp.T + bp
    # ---- process_interaction ----
    user_emb = jnp.take(user_embeddings, user_ids, axis=0)
    item_emb = jnp.take(item_embeddings, item_ids, axis=0)
    delta_user = (timestamps - jnp.take(user_last_time, user_ids, axis=0))[:, None]
    delta_item = (timestamps - jnp.take(item_last_time, item_ids, axis=0))[:, None]
    user_emb = user_emb * (1.0 + delta_user @ time_proj_w.T)
    item_emb = item_emb * (1.0 + delta_item @ time_proj_w.T)
    user_rnn_input = jnp.concatenate([user_emb, item_emb, features], axis=-1)
    item_rnn_input = jnp.concatenate([item_emb, user_emb, features], axis=-1)
    new_user_emb = jnp.tanh(user_rnn_input @ W_ih_u.T + b_ih_u + user_emb @ W_hh_u.T + b_hh_u)
    new_item_emb = jnp.tanh(item_rnn_input @ W_ih_i.T + b_ih_i + item_emb @ W_hh_i.T + b_hh_i)
    # ---- state scatter-overwrite (side effect on buffers in torch) ----
    new_user_embeddings = user_embeddings.at[user_ids].set(jax.lax.stop_gradient(new_user_emb))
    new_item_embeddings = item_embeddings.at[item_ids].set(jax.lax.stop_gradient(new_item_emb))
    new_user_last_time = user_last_time.at[user_ids].set(timestamps)
    new_item_last_time = item_last_time.at[item_ids].set(timestamps)
    del new_user_embeddings, new_item_embeddings, new_user_last_time, new_item_last_time
    return (pred_item_emb, new_user_emb, new_item_emb)

if __name__ == "__main__":
    import jax
    _d = setup_inputs()
    print(jax.jit(kernel)(*tuple(_d.values())))

</pallas_src>

<mosaic_0001>
#map = affine_map<(d0, d1) -> (0)>
#map1 = affine_map<(d0, d1) -> (0, 0)>
module attributes {stable_mosaic.version = 14 : i64} {
  func.func @_sc_gather(%arg0: i32, %arg1: i32, %arg2: memref<16384xi32, #tpu.memory_space<hbm>>, %arg3: memref<16384xi32, #tpu.memory_space<hbm>>, %arg4: memref<16384xi32, #tpu.memory_space<hbm>>, %arg5: memref<16384xi32, #tpu.memory_space<hbm>>, %arg6: memref<253952x128xf32, #tpu.memory_space<hbm>>, %arg7: memref<253952x128xf32, #tpu.memory_space<hbm>>, %arg8: memref<1000000xf32, #tpu.memory_space<hbm>>, %arg9: memref<1000000xf32, #tpu.memory_space<hbm>>, %arg10: memref<16384x128xf32, #tpu.memory_space<hbm>>, %arg11: memref<16384x128xf32, #tpu.memory_space<hbm>>, %arg12: memref<16384xf32, #tpu.memory_space<hbm>>, %arg13: memref<16384xf32, #tpu.memory_space<hbm>>, %arg14: memref<512xi32, #tpu.memory_space<vmem>>, %arg15: memref<512xi32, #tpu.memory_space<vmem>>, %arg16: memref<256xi32, #tpu.memory_space<vmem>>, %arg17: memref<256xi32, #tpu.memory_space<vmem>>, %arg18: memref<256x128xf32, #tpu.memory_space<vmem>>, %arg19: memref<256x128xf32, #tpu.memory_space<vmem>>, %arg20: memref<512xf32, #tpu.memory_space<vmem>>, %arg21: memref<512xf32, #tpu.memory_space<vmem>>, %arg22: memref<!tpu.dma_semaphore, #tpu.memory_space<semaphore_mem>>, %arg23: memref<!tpu.dma_semaphore, #tpu.memory_space<semaphore_mem>>) attributes {dimension_semantics = [#tpu.dimension_semantics<core_parallel>, #tpu.dimension_semantics<subcore_parallel>], iteration_bounds = array<i64: 2, 16>, scalar_prefetch = 0 : i64, scratch_operands = 10 : i64, tpu.core_type = #tpu.core_type<sc_vector_subcore>, window_params = [{transform_indices = #map}, {transform_indices = #map}, {transform_indices = #map}, {transform_indices = #map}, {transform_indices = #map1}, {transform_indices = #map1}, {transform_indices = #map}, {transform_indices = #map}, {transform_indices = #map1}, {transform_indices = #map1}, {transform_indices = #map}, {transform_indices = #map}]} {
    %mul3A = arith.constant 2 : i32
    %mul3A_0 = arith.muli %arg1, %mul3A : i32
    %add3A = arith.addi %mul3A_0, %arg0 : i32
    %mul3A_1 = arith.constant 512 : i32
    %mul3A_2 = arith.muli %add3A, %mul3A_1 : i32
    "tpu.region"() ({
      %run_scoped3A = tpu.sem_alloc : memref<!tpu.dma_semaphore, #tpu.memory_space<semaphore_mem>>
      %dma_start3A_37 = tpu.memref_slice %arg4[%mul3A_2] : memref<16384xi32, #tpu.memory_space<hbm>> -> memref<512xi32, #tpu.memory_space<hbm>>
      %dma_start3A_38 = tpu.memref_slice %arg4[%mul3A_2] : memref<16384xi32, #tpu.memory_space<hbm>> -> memref<512xi32, #tpu.memory_space<hbm>>
      tpu.enqueue_dma source(%dma_start3A_38 : memref<512xi32, #tpu.memory_space<hbm>>) target(%arg14 : memref<512xi32, #tpu.memory_space<vmem>>) target_semaphore(%run_scoped3A : memref<!tpu.dma_semaphore, #tpu.memory_space<semaphore_mem>>)
      %dma_wait3A_39 = tpu.memref_slice %arg4[%mul3A_2] : memref<16384xi32, #tpu.memory_space<hbm>> -> memref<512xi32, #tpu.memory_space<hbm>>
      %dma_wait3A_40 = tpu.memref_slice %arg4[%mul3A_2] : memref<16384xi32, #tpu.memory_space<hbm>> -> memref<512xi32, #tpu.memory_space<hbm>>
      tpu.wait_dma2 semaphore(%run_scoped3A : memref<!tpu.dma_semaphore, #tpu.memory_space<semaphore_mem>>) src(%dma_wait3A_40 : memref<512xi32, #tpu.memory_space<hbm>>) dst(%arg14 : memref<512xi32, #tpu.memory_space<vmem>>)
      tpu.yield
    }) : () -> ()
    "tpu.region"() ({
      %run_scoped3A = tpu.sem_alloc : memref<!tpu.dma_semaphore, #tpu.memory_space<semaphore_mem>>
      %dma_start3A_37 = tpu.memref_slice %arg5[%mul3A_2] : memref<16384xi32, #tpu.memory_space<hbm>> -> memref<512xi32, #tpu.memory_space<hbm>>
      %dma_start3A_38 = tpu.memref_slice %arg5[%mul3A_2] : memref<16384xi32, #tpu.memory_space<hbm>> -> memref<512xi32, #tpu.memory_space<hbm>>
      tpu.enqueue_dma source(%dma_start3A_38 : memref<512xi32, #tpu.memory_space<hbm>>) target(%arg15 : memref<512xi32, #tpu.memory_space<vmem>>) target_semaphore(%run_scoped3A : memref<!tpu.dma_semaphore, #tpu.memory_space<semaphore_mem>>)
      %dma_wait3A_39 = tpu.memref_slice %arg5[%mul3A_2] : memref<16384xi32, #tpu.memory_space<hbm>> -> memref<512xi32, #tpu.memory_space<hbm>>
      %dma_wait3A_40 = tpu.memref_slice %arg5[%mul3A_2] : memref<16384xi32, #tpu.memory_space<hbm>> -> memref<512xi32, #tpu.memory_space<hbm>>
      tpu.wait_dma2 semaphore(%run_scoped3A : memref<!tpu.dma_semaphore, #tpu.memory_space<semaphore_mem>>) src(%dma_wait3A_40 : memref<512xi32, #tpu.memory_space<hbm>>) dst(%arg15 : memref<512xi32, #tpu.memory_space<vmem>>)
      tpu.yield
    }) : () -> ()
    %dma_start3A = arith.constant 0 : i32
    %dma_start3A_3 = tpu.memref_slice %arg8[%dma_start3A] : memref<1000000xf32, #tpu.memory_space<hbm>> -> memref<1000000xf32, #tpu.memory_space<hbm>>
    tpu.enqueue_indirect_dma source(%dma_start3A_3 : memref<1000000xf32, #tpu.memory_space<hbm>>) target(%arg20 : memref<512xf32, #tpu.memory_space<vmem>>) offsets(%arg14 : memref<512xi32, #tpu.memory_space<vmem>>) semaphore(%arg23 : memref<!tpu.dma_semaphore, #tpu.memory_space<semaphore_mem>>)
    %dma_start3A_4 = arith.constant 0 : i32
    %dma_start3A_5 = tpu.memref_slice %arg9[%dma_start3A_4] : memref<1000000xf32, #tpu.memory_space<hbm>> -> memref<1000000xf32, #tpu.memory_space<hbm>>
    tpu.enqueue_indirect_dma source(%dma_start3A_5 : memref<1000000xf32, #tpu.memory_space<hbm>>) target(%arg21 : memref<512xf32, #tpu.memory_space<vmem>>) offsets(%arg15 : memref<512xi32, #tpu.memory_space<vmem>>) semaphore(%arg23 : memref<!tpu.dma_semaphore, #tpu.memory_space<semaphore_mem>>)
    %add3A_6 = arith.constant 0 : i32
    %add3A_7 = arith.addi %mul3A_2, %add3A_6 : i32
    "tpu.region"() ({
      %run_scoped3A = tpu.sem_alloc : memref<!tpu.dma_semaphore, #tpu.memory_space<semaphore_mem>>
      %dma_start3A_37 = tpu.memref_slice %arg2[%add3A_7] : memref<16384xi32, #tpu.memory_space<hbm>> -> memref<256xi32, #tpu.memory_space<hbm>>
      %dma_start3A_38 = tpu.memref_slice %arg2[%add3A_7] : memref<16384xi32, #tpu.memory_space<hbm>> -> memref<256xi32, #tpu.memory_space<hbm>>
      tpu.enqueue_dma source(%dma_start3A_38 : memref<256xi32, #tpu.memory_space<hbm>>) target(%arg16 : memref<256xi32, #tpu.memory_space<vmem>>) target_semaphore(%run_scoped3A : memref<!tpu.dma_semaphore, #tpu.memory_space<semaphore_mem>>)
      %dma_wait3A_39 = tpu.memref_slice %arg2[%add3A_7] : memref<16384xi32, #tpu.memory_space<hbm>> -> memref<256xi32, #tpu.memory_space<hbm>>
      %dma_wait3A_40 = tpu.memref_slice %arg2[%add3A_7] : memref<16384xi32, #tpu.memory_space<hbm>> -> memref<256xi32, #tpu.memory_space<hbm>>
      tpu.wait_dma2 semaphore(%run_scoped3A : memref<!tpu.dma_semaphore, #tpu.memory_space<semaphore_mem>>) src(%dma_wait3A_40 : memref<256xi32, #tpu.memory_space<hbm>>) dst(%arg16 : memref<256xi32, #tpu.memory_space<vmem>>)
      tpu.yield
    }) : () -> ()
    "tpu.region"() ({
      %run_scoped3A = tpu.sem_alloc : memref<!tpu.dma_semaphore, #tpu.memory_space<semaphore_mem>>
      %dma_start3A_37 = tpu.memref_slice %arg3[%add3A_7] : memref<16384xi32, #tpu.memory_space<hbm>> -> memref<256xi32, #tpu.memory_space<hbm>>
      %dma_start3A_38 = tpu.memref_slice %arg3[%add3A_7] : memref<16384xi32, #tpu.memory_space<hbm>> -> memref<256xi32, #tpu.memory_space<hbm>>
      tpu.enqueue_dma source(%dma_start3A_38 : memref<256xi32, #tpu.memory_space<hbm>>) target(%arg17 : memref<256xi32, #tpu.memory_space<vmem>>) target_semaphore(%run_scoped3A : memref<!tpu.dma_semaphore, #tpu.memory_space<semaphore_mem>>)
      %dma_wait3A_39 = tpu.memref_slice %arg3[%add3A_7] : memref<16384xi32, #tpu.memory_space<hbm>> -> memref<256xi32, #tpu.memory_space<hbm>>
      %dma_wait3A_40 = tpu.memref_slice %arg3[%add3A_7] : memref<16384xi32, #tpu.memory_space<hbm>> -> memref<256xi32, #tpu.memory_space<hbm>>
      tpu.wait_dma2 semaphore(%run_scoped3A : memref<!tpu.dma_semaphore, #tpu.memory_space<semaphore_mem>>) src(%dma_wait3A_40 : memref<256xi32, #tpu.memory_space<hbm>>) dst(%arg17 : memref<256xi32, #tpu.memory_space<vmem>>)
      tpu.yield
    }) : () -> ()
    %dma_start3A_8 = arith.constant 0 : i32
    %dma_start3A_9 = arith.constant 0 : i32
    %dma_start3A_10 = tpu.memref_slice %arg6[%dma_start3A_8, %dma_start3A_9] : memref<253952x128xf32, #tpu.memory_space<hbm>> -> memref<253952x128xf32, #tpu.memory_space<hbm>>
    tpu.enqueue_indirect_dma source(%dma_start3A_10 : memref<253952x128xf32, #tpu.memory_space<hbm>>) target(%arg18 : memref<256x128xf32, #tpu.memory_space<vmem>>) offsets(%arg16 : memref<256xi32, #tpu.memory_space<vmem>>) semaphore(%arg22 : memref<!tpu.dma_semaphore, #tpu.memory_space<semaphore_mem>>)
    %dma_start3A_11 = arith.constant 0 : i32
    %dma_start3A_12 = arith.constant 0 : i32
    %dma_start3A_13 = tpu.memref_slice %arg7[%dma_start3A_11, %dma_start3A_12] : memref<253952x128xf32, #tpu.memory_space<hbm>> -> memref<253952x128xf32, #tpu.memory_space<hbm>>
    tpu.enqueue_indirect_dma source(%dma_start3A_13 : memref<253952x128xf32, #tpu.memory_space<hbm>>) target(%arg19 : memref<256x128xf32, #tpu.memory_space<vmem>>) offsets(%arg17 : memref<256xi32, #tpu.memory_space<vmem>>) semaphore(%arg22 : memref<!tpu.dma_semaphore, #tpu.memory_space<semaphore_mem>>)
    %dma_wait3A = arith.constant 0 : i32
    %dma_wait3A_14 = arith.constant 0 : i32
    %dma_wait3A_15 = tpu.memref_slice %arg6[%dma_wait3A, %dma_wait3A_14] : memref<253952x128xf32, #tpu.memory_space<hbm>> -> memref<253952x128xf32, #tpu.memory_space<hbm>>
    tpu.wait_indirect_dma semaphore(%arg22 : memref<!tpu.dma_semaphore, #tpu.memory_space<semaphore_mem>>) src(%dma_wait3A_15 : memref<253952x128xf32, #tpu.memory_space<hbm>>) dst(%arg18 : memref<256x128xf32, #tpu.memory_space<vmem>>)
    %dma_wait3A_16 = arith.constant 0 : i32
    %dma_wait3A_17 = arith.constant 0 : i32
    %dma_wait3A_18 = tpu.memref_slice %arg7[%dma_wait3A_16, %dma_wait3A_17] : memref<253952x128xf32, #tpu.memory_space<hbm>> -> memref<253952x128xf32, #tpu.memory_space<hbm>>
    tpu.wait_indirect_dma semaphore(%arg22 : memref<!tpu.dma_semaphore, #tpu.memory_space<semaphore_mem>>) src(%dma_wait3A_18 : memref<253952x128xf32, #tpu.memory_space<hbm>>) dst(%arg19 : memref<256x128xf32, #tpu.memory_space<vmem>>)
    "tpu.region"() ({
      %run_scoped3A = tpu.sem_alloc : memref<!tpu.dma_semaphore, #tpu.memory_space<semaphore_mem>>
      %dma_start3A_37 = arith.constant 0 : i32
      %dma_start3A_38 = tpu.memref_slice %arg10[%add3A_7, %dma_start3A_37] : memref<16384x128xf32, #tpu.memory_space<hbm>> -> memref<256x128xf32, #tpu.memory_space<hbm>>
      %dma_start3A_39 = arith.constant 0 : i32
      %dma_start3A_40 = tpu.memref_slice %arg10[%add3A_7, %dma_start3A_39] : memref<16384x128xf32, #tpu.memory_space<hbm>> -> memref<256x128xf32, #tpu.memory_space<hbm>>
      tpu.enqueue_dma source(%arg18 : memref<256x128xf32, #tpu.memory_space<vmem>>) target(%dma_start3A_40 : memref<256x128xf32, #tpu.memory_space<hbm>>) target_semaphore(%run_scoped3A : memref<!tpu.dma_semaphore, #tpu.memory_space<semaphore_mem>>)
      %dma_wait3A_41 = arith.constant 0 : i32
      %dma_wait3A_42 = tpu.memref_slice %arg10[%add3A_7, %dma_wait3A_41] : memref<16384x128xf32, #tpu.memory_space<hbm>> -> memref<256x128xf32, #tpu.memory_space<hbm>>
      %dma_wait3A_43 = arith.constant 0 : i32
      %dma_wait3A_44 = tpu.memref_slice %arg10[%add3A_7, %dma_wait3A_43] : memref<16384x128xf32, #tpu.memory_space<hbm>> -> memref<256x128xf32, #tpu.memory_space<hbm>>
      tpu.wait_dma2 semaphore(%run_scoped3A : memref<!tpu.dma_semaphore, #tpu.memory_space<semaphore_mem>>) src(%arg18 : memref<256x128xf32, #tpu.memory_space<vmem>>) dst(%dma_wait3A_44 : memref<256x128xf32, #tpu.memory_space<hbm>>)
      tpu.yield
    }) : () -> ()
    "tpu.region"() ({
      %run_scoped3A = tpu.sem_alloc : memref<!tpu.dma_semaphore, #tpu.memory_space<semaphore_mem>>
      %dma_start3A_37 = arith.constant 0 : i32
      %dma_start3A_38 = tpu.memref_slice %arg11[%add3A_7, %dma_start3A_37] : memref<16384x128xf32, #tpu.memory_space<hbm>> -> memref<256x128xf32, #tpu.memory_space<hbm>>
      %dma_start3A_39 = arith.constant 0 : i32
      %dma_start3A_40 = tpu.memref_slice %arg11[%add3A_7, %dma_start3A_39] : memref<16384x128xf32, #tpu.memory_space<hbm>> -> memref<256x128xf32, #tpu.memory_space<hbm>>
      tpu.enqueue_dma source(%arg19 : memref<256x128xf32, #tpu.memory_space<vmem>>) target(%dma_start3A_40 : memref<256x128xf32, #tpu.memory_space<hbm>>) target_semaphore(%run_scoped3A : memref<!tpu.dma_semaphore, #tpu.memory_space<semaphore_mem>>)
      %dma_wait3A_41 = arith.constant 0 : i32
      %dma_wait3A_42 = tpu.memref_slice %arg11[%add3A_7, %dma_wait3A_41] : memref<16384x128xf32, #tpu.memory_space<hbm>> -> memref<256x128xf32, #tpu.memory_space<hbm>>
      %dma_wait3A_43 = arith.constant 0 : i32
      %dma_wait3A_44 = tpu.memref_slice %arg11[%add3A_7, %dma_wait3A_43] : memref<16384x128xf32, #tpu.memory_space<hbm>> -> memref<256x128xf32, #tpu.memory_space<hbm>>
      tpu.wait_dma2 semaphore(%run_scoped3A : memref<!tpu.dma_semaphore, #tpu.memory_space<semaphore_mem>>) src(%arg19 : memref<256x128xf32, #tpu.memory_space<vmem>>) dst(%dma_wait3A_44 : memref<256x128xf32, #tpu.memory_space<hbm>>)
      tpu.yield
    }) : () -> ()
    %add3A_19 = arith.constant 256 : i32
    %add3A_20 = arith.addi %mul3A_2, %add3A_19 : i32
    "tpu.region"() ({
      %run_scoped3A = tpu.sem_alloc : memref<!tpu.dma_semaphore, #tpu.memory_space<semaphore_mem>>
      %dma_start3A_37 = tpu.memref_slice %arg2[%add3A_20] : memref<16384xi32, #tpu.memory_space<hbm>> -> memref<256xi32, #tpu.memory_space<hbm>>
      %dma_start3A_38 = tpu.memref_slice %arg2[%add3A_20] : memref<16384xi32, #tpu.memory_space<hbm>> -> memref<256xi32, #tpu.memory_space<hbm>>
      tpu.enqueue_dma source(%dma_start3A_38 : memref<256xi32, #tpu.memory_space<hbm>>) target(%arg16 : memref<256xi32, #tpu.memory_space<vmem>>) target_semaphore(%run_scoped3A : memref<!tpu.dma_semaphore, #tpu.memory_space<semaphore_mem>>)
      %dma_wait3A_39 = tpu.memref_slice %arg2[%add3A_20] : memref<16384xi32, #tpu.memory_space<hbm>> -> memref<256xi32, #tpu.memory_space<hbm>>
      %dma_wait3A_40 = tpu.memref_slice %arg2[%add3A_20] : memref<16384xi32, #tpu.memory_space<hbm>> -> memref<256xi32, #tpu.memory_space<hbm>>
      tpu.wait_dma2 semaphore(%run_scoped3A : memref<!tpu.dma_semaphore, #tpu.memory_space<semaphore_mem>>) src(%dma_wait3A_40 : memref<256xi32, #tpu.memory_space<hbm>>) dst(%arg16 : memref<256xi32, #tpu.memory_space<vmem>>)
      tpu.yield
    }) : () -> ()
    "tpu.region"() ({
      %run_scoped3A = tpu.sem_alloc : memref<!tpu.dma_semaphore, #tpu.memory_space<semaphore_mem>>
      %dma_start3A_37 = tpu.memref_slice %arg3[%add3A_20] : memref<16384xi32, #tpu.memory_space<hbm>> -> memref<256xi32, #tpu.memory_space<hbm>>
      %dma_start3A_38 = tpu.memref_slice %arg3[%add3A_20] : memref<16384xi32, #tpu.memory_space<hbm>> -> memref<256xi32, #tpu.memory_space<hbm>>
      tpu.enqueue_dma source(%dma_start3A_38 : memref<256xi32, #tpu.memory_space<hbm>>) target(%arg17 : memref<256xi32, #tpu.memory_space<vmem>>) target_semaphore(%run_scoped3A : memref<!tpu.dma_semaphore, #tpu.memory_space<semaphore_mem>>)
      %dma_wait3A_39 = tpu.memref_slice %arg3[%add3A_20] : memref<16384xi32, #tpu.memory_space<hbm>> -> memref<256xi32, #tpu.memory_space<hbm>>
      %dma_wait3A_40 = tpu.memref_slice %arg3[%add3A_20] : memref<16384xi32, #tpu.memory_space<hbm>> -> memref<256xi32, #tpu.memory_space<hbm>>
      tpu.wait_dma2 semaphore(%run_scoped3A : memref<!tpu.dma_semaphore, #tpu.memory_space<semaphore_mem>>) src(%dma_wait3A_40 : memref<256xi32, #tpu.memory_space<hbm>>) dst(%arg17 : memref<256xi32, #tpu.memory_space<vmem>>)
      tpu.yield
    }) : () -> ()
    %dma_start3A_21 = arith.constant 0 : i32
    %dma_start3A_22 = arith.constant 0 : i32
    %dma_start3A_23 = tpu.memref_slice %arg6[%dma_start3A_21, %dma_start3A_22] : memref<253952x128xf32, #tpu.memory_space<hbm>> -> memref<253952x128xf32, #tpu.memory_space<hbm>>
    tpu.enqueue_indirect_dma source(%dma_start3A_23 : memref<253952x128xf32, #tpu.memory_space<hbm>>) target(%arg18 : memref<256x128xf32, #tpu.memory_space<vmem>>) offsets(%arg16 : memref<256xi32, #tpu.memory_space<vmem>>) semaphore(%arg22 : memref<!tpu.dma_semaphore, #tpu.memory_space<semaphore_mem>>)
    %dma_start3A_24 = arith.constant 0 : i32
    %dma_start3A_25 = arith.constant 0 : i32
    %dma_start3A_26 = tpu.memref_slice %arg7[%dma_start3A_24, %dma_start3A_25] : memref<253952x128xf32, #tpu.memory_space<hbm>> -> memref<253952x128xf32, #tpu.memory_space<hbm>>
    tpu.enqueue_indirect_dma source(%dma_start3A_26 : memref<253952x128xf32, #tpu.memory_space<hbm>>) target(%arg19 : memref<256x128xf32, #tpu.memory_space<vmem>>) offsets(%arg17 : memref<256xi32, #tpu.memory_space<vmem>>) semaphore(%arg22 : memref<!tpu.dma_semaphore, #tpu.memory_space<semaphore_mem>>)
    %dma_wait3A_27 = arith.constant 0 : i32
    %dma_wait3A_28 = arith.constant 0 : i32
    %dma_wait3A_29 = tpu.memref_slice %arg6[%dma_wait3A_27, %dma_wait3A_28] : memref<253952x128xf32, #tpu.memory_space<hbm>> -> memref<253952x128xf32, #tpu.memory_space<hbm>>
    tpu.wait_indirect_dma semaphore(%arg22 : memref<!tpu.dma_semaphore, #tpu.memory_space<semaphore_mem>>) src(%dma_wait3A_29 : memref<253952x128xf32, #tpu.memory_space<hbm>>) dst(%arg18 : memref<256x128xf32, #tpu.memory_space<vmem>>)
    %dma_wait3A_30 = arith.constant 0 : i32
    %dma_wait3A_31 = arith.constant 0 : i32
    %dma_wait3A_32 = tpu.memref_slice %arg7[%dma_wait3A_30, %dma_wait3A_31] : memref<253952x128xf32, #tpu.memory_space<hbm>> -> memref<253952x128xf32, #tpu.memory_space<hbm>>
    tpu.wait_indirect_dma semaphore(%arg22 : memref<!tpu.dma_semaphore, #tpu.memory_space<semaphore_mem>>) src(%dma_wait3A_32 : memref<253952x128xf32, #tpu.memory_space<hbm>>) dst(%arg19 : memref<256x128xf32, #tpu.memory_space<vmem>>)
    "tpu.region"() ({
      %run_scoped3A = tpu.sem_alloc : memref<!tpu.dma_semaphore, #tpu.memory_space<semaphore_mem>>
      %dma_start3A_37 = arith.constant 0 : i32
      %dma_start3A_38 = tpu.memref_slice %arg10[%add3A_20, %dma_start3A_37] : memref<16384x128xf32, #tpu.memory_space<hbm>> -> memref<256x128xf32, #tpu.memory_space<hbm>>
      %dma_start3A_39 = arith.constant 0 : i32
      %dma_start3A_40 = tpu.memref_slice %arg10[%add3A_20, %dma_start3A_39] : memref<16384x128xf32, #tpu.memory_space<hbm>> -> memref<256x128xf32, #tpu.memory_space<hbm>>
      tpu.enqueue_dma source(%arg18 : memref<256x128xf32, #tpu.memory_space<vmem>>) target(%dma_start3A_40 : memref<256x128xf32, #tpu.memory_space<hbm>>) target_semaphore(%run_scoped3A : memref<!tpu.dma_semaphore, #tpu.memory_space<semaphore_mem>>)
      %dma_wait3A_41 = arith.constant 0 : i32
      %dma_wait3A_42 = tpu.memref_slice %arg10[%add3A_20, %dma_wait3A_41] : memref<16384x128xf32, #tpu.memory_space<hbm>> -> memref<256x128xf32, #tpu.memory_space<hbm>>
      %dma_wait3A_43 = arith.constant 0 : i32
      %dma_wait3A_44 = tpu.memref_slice %arg10[%add3A_20, %dma_wait3A_43] : memref<16384x128xf32, #tpu.memory_space<hbm>> -> memref<256x128xf32, #tpu.memory_space<hbm>>
      tpu.wait_dma2 semaphore(%run_scoped3A : memref<!tpu.dma_semaphore, #tpu.memory_space<semaphore_mem>>) src(%arg18 : memref<256x128xf32, #tpu.memory_space<vmem>>) dst(%dma_wait3A_44 : memref<256x128xf32, #tpu.memory_space<hbm>>)
      tpu.yield
    }) : () -> ()
    "tpu.region"() ({
      %run_scoped3A = tpu.sem_alloc : memref<!tpu.dma_semaphore, #tpu.memory_space<semaphore_mem>>
      %dma_start3A_37 = arith.constant 0 : i32
      %dma_start3A_38 = tpu.memref_slice %arg11[%add3A_20, %dma_start3A_37] : memref<16384x128xf32, #tpu.memory_space<hbm>> -> memref<256x128xf32, #tpu.memory_space<hbm>>
      %dma_start3A_39 = arith.constant 0 : i32
      %dma_start3A_40 = tpu.memref_slice %arg11[%add3A_20, %dma_start3A_39] : memref<16384x128xf32, #tpu.memory_space<hbm>> -> memref<256x128xf32, #tpu.memory_space<hbm>>
      tpu.enqueue_dma source(%arg19 : memref<256x128xf32, #tpu.memory_space<vmem>>) target(%dma_start3A_40 : memref<256x128xf32, #tpu.memory_space<hbm>>) target_semaphore(%run_scoped3A : memref<!tpu.dma_semaphore, #tpu.memory_space<semaphore_mem>>)
      %dma_wait3A_41 = arith.constant 0 : i32
      %dma_wait3A_42 = tpu.memref_slice %arg11[%add3A_20, %dma_wait3A_41] : memref<16384x128xf32, #tpu.memory_space<hbm>> -> memref<256x128xf32, #tpu.memory_space<hbm>>
      %dma_wait3A_43 = arith.constant 0 : i32
      %dma_wait3A_44 = tpu.memref_slice %arg11[%add3A_20, %dma_wait3A_43] : memref<16384x128xf32, #tpu.memory_space<hbm>> -> memref<256x128xf32, #tpu.memory_space<hbm>>
      tpu.wait_dma2 semaphore(%run_scoped3A : memref<!tpu.dma_semaphore, #tpu.memory_space<semaphore_mem>>) src(%arg19 : memref<256x128xf32, #tpu.memory_space<vmem>>) dst(%dma_wait3A_44 : memref<256x128xf32, #tpu.memory_space<hbm>>)
      tpu.yield
    }) : () -> ()
    %dma_wait3A_33 = arith.constant 0 : i32
    %dma_wait3A_34 = tpu.memref_slice %arg8[%dma_wait3A_33] : memref<1000000xf32, #tpu.memory_space<hbm>> -> memref<1000000xf32, #tpu.memory_space<hbm>>
    tpu.wait_indirect_dma semaphore(%arg23 : memref<!tpu.dma_semaphore, #tpu.memory_space<semaphore_mem>>) src(%dma_wait3A_34 : memref<1000000xf32, #tpu.memory_space<hbm>>) dst(%arg20 : memref<512xf32, #tpu.memory_space<vmem>>)
    %dma_wait3A_35 = arith.constant 0 : i32
    %dma_wait3A_36 = tpu.memref_slice %arg9[%dma_wait3A_35] : memref<1000000xf32, #tpu.memory_space<hbm>> -> memref<1000000xf32, #tpu.memory_space<hbm>>
    tpu.wait_indirect_dma semaphore(%arg23 : memref<!tpu.dma_semaphore, #tpu.memory_space<semaphore_mem>>) src(%dma_wait3A_36 : memref<1000000xf32, #tpu.memory_space<hbm>>) dst(%arg21 : memref<512xf32, #tpu.memory_space<vmem>>)
    "tpu.region"() ({
      %run_scoped3A = tpu.sem_alloc : memref<!tpu.dma_semaphore, #tpu.memory_space<semaphore_mem>>
      %dma_start3A_37 = tpu.memref_slice %arg12[%mul3A_2] : memref<16384xf32, #tpu.memory_space<hbm>> -> memref<512xf32, #tpu.memory_space<hbm>>
      %dma_start3A_38 = tpu.memref_slice %arg12[%mul3A_2] : memref<16384xf32, #tpu.memory_space<hbm>> -> memref<512xf32, #tpu.memory_space<hbm>>
      tpu.enqueue_dma source(%arg20 : memref<512xf32, #tpu.memory_space<vmem>>) target(%dma_start3A_38 : memref<512xf32, #tpu.memory_space<hbm>>) target_semaphore(%run_scoped3A : memref<!tpu.dma_semaphore, #tpu.memory_space<semaphore_mem>>)
      %dma_wait3A_39 = tpu.memref_slice %arg12[%mul3A_2] : memref<16384xf32, #tpu.memory_space<hbm>> -> memref<512xf32, #tpu.memory_space<hbm>>
      %dma_wait3A_40 = tpu.memref_slice %arg12[%mul3A_2] : memref<16384xf32, #tpu.memory_space<hbm>> -> memref<512xf32, #tpu.memory_space<hbm>>
      tpu.wait_dma2 semaphore(%run_scoped3A : memref<!tpu.dma_semaphore, #tpu.memory_space<semaphore_mem>>) src(%arg20 : memref<512xf32, #tpu.memory_space<vmem>>) dst(%dma_wait3A_40 : memref<512xf32, #tpu.memory_space<hbm>>)
      tpu.yield
    }) : () -> ()
    "tpu.region"() ({
      %run_scoped3A = tpu.sem_alloc : memref<!tpu.dma_semaphore, #tpu.memory_space<semaphore_mem>>
      %dma_start3A_37 = tpu.memref_slice %arg13[%mul3A_2] : memref<16384xf32, #tpu.memory_space<hbm>> -> memref<512xf32, #tpu.memory_space<hbm>>
      %dma_start3A_38 = tpu.memref_slice %arg13[%mul3A_2] : memref<16384xf32, #tpu.memory_space<hbm>> -> memref<512xf32, #tpu.memory_space<hbm>>
      tpu.enqueue_dma source(%arg21 : memref<512xf32, #tpu.memory_space<vmem>>) target(%dma_start3A_38 : memref<512xf32, #tpu.memory_space<hbm>>) target_semaphore(%run_scoped3A : memref<!tpu.dma_semaphore, #tpu.memory_space<semaphore_mem>>)
      %dma_wait3A_39 = tpu.memref_slice %arg13[%mul3A_2] : memref<16384xf32, #tpu.memory_space<hbm>> -> memref<512xf32, #tpu.memory_space<hbm>>
      %dma_wait3A_40 = tpu.memref_slice %arg13[%mul3A_2] : memref<16384xf32, #tpu.memory_space<hbm>> -> memref<512xf32, #tpu.memory_space<hbm>>
      tpu.wait_dma2 semaphore(%run_scoped3A : memref<!tpu.dma_semaphore, #tpu.memory_space<semaphore_mem>>) src(%arg21 : memref<512xf32, #tpu.memory_space<vmem>>) dst(%dma_wait3A_40 : memref<512xf32, #tpu.memory_space<hbm>>)
      tpu.yield
    }) : () -> ()
    return
  }
}

module attributes {stable_mosaic.version = 14 : i64} {
  func.func @_fold_body(%arg0: i32, %arg1: memref<32x16384xf32, #tpu.memory_space<vmem>>, %arg2: memref<4096x128xf32, #tpu.memory_space<vmem>>) attributes {dimension_semantics = [#tpu.dimension_semantics<arbitrary>], iteration_bounds = array<i64: 62>, scalar_prefetch = 0 : i64, scratch_operands = 0 : i64, tpu.core_type = #tpu.core_type<tc>, window_params = [{transform_indices = @transform_0, window_bounds = array<i64: 32, 16384>}, {transform_indices = @transform_1, window_bounds = array<i64: 4096, 128>}]} {
    %get3A = arith.constant 0 : index
    %get3A_0 = arith.constant 0 : index
    %get3A_1 = vector.load %arg1[%get3A, %get3A_0] : memref<32x16384xf32, #tpu.memory_space<vmem>>, vector<32x16384xf32>
    %slice3A = vector.extract_strided_slice %get3A_1 {offsets = [0, 0], sizes = [32, 4096], strides = [1, 1]} : vector<32x16384xf32> to vector<32x4096xf32>
    %transpose3A = tpu.transpose %slice3A, [1, 0] : vector<32x4096xf32> -> vector<4096x32xf32>
    %slice3A_2 = vector.extract_strided_slice %get3A_1 {offsets = [0, 4096], sizes = [32, 4096], strides = [1, 1]} : vector<32x16384xf32> to vector<32x4096xf32>
    %transpose3A_3 = tpu.transpose %slice3A_2, [1, 0] : vector<32x4096xf32> -> vector<4096x32xf32>
    %slice3A_4 = vector.extract_strided_slice %get3A_1 {offsets = [0, 8192], sizes = [32, 4096], strides = [1, 1]} : vector<32x16384xf32> to vector<32x4096xf32>
    %transpose3A_5 = tpu.transpose %slice3A_4, [1, 0] : vector<32x4096xf32> -> vector<4096x32xf32>
    %slice3A_6 = vector.extract_strided_slice %get3A_1 {offsets = [0, 12288], sizes = [32, 4096], strides = [1, 1]} : vector<32x16384xf32> to vector<32x4096xf32>
    %transpose3A_7 = tpu.transpose %slice3A_6, [1, 0] : vector<32x4096xf32> -> vector<4096x32xf32>
    %concatenate3A = tpu.concatenate %transpose3A, %transpose3A_3, %transpose3A_5, %transpose3A_7 in 1 : vector<4096x32xf32>, vector<4096x32xf32>, vector<4096x32xf32>, vector<4096x32xf32> -> vector<4096x128xf32>
    %swap3A = arith.constant 0 : index
    %swap3A_8 = arith.constant 0 : index
    %swap3A_9 = vector.load %arg2[%swap3A, %swap3A_8] : memref<4096x128xf32, #tpu.memory_space<vmem>>, vector<4096x128xf32>
    tpu.vector_store %arg2[%swap3A, %swap3A_8], %concatenate3A {strides = array<i32>} : memref<4096x128xf32, #tpu.memory_space<vmem>>, vector<4096x128xf32>,
    return
  }
  func.func @transform_0(%arg0: i32) -> (i32, i32) {
    %c0_i32 = arith.constant 0 : i32
    %c0_i32_0 = arith.constant 0 : i32
    return %c0_i32, %arg0 : i32, i32
  }
  func.func @transform_1(%arg0: i32) -> (i32, i32) {
    %c0_i32 = arith.constant 0 : i32
    %c0_i32_0 = arith.constant 0 : i32
    return %arg0, %c0_i32 : i32, i32
  }
}

module attributes {stable_mosaic.version = 14 : i64} {
  func.func @_dense_body(%arg0: i32, %arg1: memref<1x1xf32, #tpu.memory_space<smem>>, %arg2: memref<1x2048xf32, #tpu.memory_space<vmem>>, %arg3: memref<1x2048xf32, #tpu.memory_space<vmem>>, %arg4: memref<1x2048xf32, #tpu.memory_space<vmem>>, %arg5: memref<1x2048xi32, #tpu.memory_space<vmem>>, %arg6: memref<1x2048xi32, #tpu.memory_space<vmem>>, %arg7: memref<2048x128xf32, #tpu.memory_space<vmem>>, %arg8: memref<2048x128xf32, #tpu.memory_space<vmem>>, %arg9: memref<2048x32xf32, #tpu.memory_space<vmem>>, %arg10: memref<1x32xf32, #tpu.memory_space<vmem>>, %arg11: memref<128x96xf32, #tpu.memory_space<vmem>>, %arg12: memref<1x96xf32, #tpu.memory_space<vmem>>, %arg13: memref<2048x32xf32, #tpu.memory_space<vmem>>, %arg14: memref<2048x32xf32, #tpu.memory_space<vmem>>, %arg15: memref<2048x32xf32, #tpu.memory_space<vmem>>) attributes {dimension_semantics = [#tpu.dimension_semantics<arbitrary>], iteration_bounds = array<i64: 8>, scalar_prefetch = 0 : i64, scratch_operands = 0 : i64, tpu.core_type = #tpu.core_type<tc>, window_params = [{transform_indices = @transform_0, window_bounds = array<i64: 1, 1>}, {transform_indices = @transform_1, window_bounds = array<i64: 1, 2048>}, {transform_indices = @transform_2, window_bounds = array<i64: 1, 2048>}, {transform_indices = @transform_3, window_bounds = array<i64: 1, 2048>}, {transform_indices = @transform_4, window_bounds = array<i64: 1, 2048>}, {transform_indices = @transform_5, window_bounds = array<i64: 1, 2048>}, {transform_indices = @transform_6, window_bounds = array<i64: 2048, 128>}, {transform_indices = @transform_7, window_bounds = array<i64: 2048, 128>}, {transform_indices = @transform_8, window_bounds = array<i64: 2048, 32>}, {pipeline_mode = #tpu.pipeline_mode<synchronous>, transform_indices = @transform_9, window_bounds = array<i64: 1, 32>}, {pipeline_mode = #tpu.pipeline_mode<synchronous>, transform_indices = @transform_10, window_bounds = array<i64: 128, 96>}, {pipeline_mode = #tpu.pipeline_mode<synchronous>, transform_indices = @transform_11, window_bounds = array<i64: 1, 96>}, {transform_indices = @transform_12, window_bounds = array<i64: 2048, 32>}, {transform_indices = @transform_13, window_bounds = array<i64: 2048, 32>}, {transform_indices = @transform_14, window_bounds = array<i64: 2048, 32>}]} {
    %get3A = arith.constant 0 : index
    %get3A_0 = arith.constant 0 : index
    %get3A_1 = vector.load %arg10[%get3A, %get3A_0] : memref<1x32xf32, #tpu.memory_space<vmem>>, vector<1x32xf32>
    %get3A_2 = arith.constant 0 : index
    %get3A_3 = arith.constant 0 : index
    %get3A_4 = vector.load %arg2[%get3A_2, %get3A_3] : memref<1x2048xf32, #tpu.memory_space<vmem>>, vector<1x2048xf32>
    %transpose3A = tpu.transpose %get3A_4, [1, 0] : vector<1x2048xf32> -> vector<2048x1xf32>
    %get3A_5 = arith.constant 0 : index
    %get3A_6 = arith.constant 0 : index
    %get3A_7 = vector.load %arg3[%get3A_5, %get3A_6] : memref<1x2048xf32, #tpu.memory_space<vmem>>, vector<1x2048xf32>
    %transpose3A_8 = tpu.transpose %get3A_7, [1, 0] : vector<1x2048xf32> -> vector<2048x1xf32>
    %get3A_9 = arith.constant 0 : index
    %get3A_10 = arith.constant 0 : index
    %get3A_11 = vector.load %arg4[%get3A_9, %get3A_10] : memref<1x2048xf32, #tpu.memory_space<vmem>>, vector<1x2048xf32>
    %transpose3A_12 = tpu.transpose %get3A_11, [1, 0] : vector<1x2048xf32> -> vector<2048x1xf32>
    %get3A_13 = arith.constant 0 : index
    %get3A_14 = arith.constant 0 : index
    %get3A_15 = memref.load %arg1[%get3A_13, %get3A_14] : memref<1x1xf32, #tpu.memory_space<smem>>
    %get3A_16 = arith.constant 0 : index
    %get3A_17 = arith.constant 0 : index
    %get3A_18 = vector.load %arg7[%get3A_16, %get3A_17] : memref<2048x128xf32, #tpu.memory_space<vmem>>, vector<2048x128xf32>
    %get3A_19 = arith.constant 0 : index
    %get3A_20 = arith.constant 0 : index
    %get3A_21 = vector.load %arg8[%get3A_19, %get3A_20] : memref<2048x128xf32, #tpu.memory_space<vmem>>, vector<2048x128xf32>
    %get3A_22 = arith.constant 0 : index
    %get3A_23 = arith.constant 0 : index
    %get3A_24 = vector.load %arg5[%get3A_22, %get3A_23] : memref<1x2048xi32, #tpu.memory_space<vmem>>, vector<1x2048xi32>
    %transpose3A_25 = tpu.transpose %get3A_24, [1, 0] : vector<1x2048xi32> -> vector<2048x1xi32>
    %shift_right_arithmetic3A = arith.constant 12 : i32
    %shift_right_arithmetic3A_26 = vector.broadcast %shift_right_arithmetic3A : i32 to vector<2048x1xi32>
    %shift_right_arithmetic3A_27 = arith.shrsi %transpose3A_25, %shift_right_arithmetic3A_26 : vector<2048x1xi32>
    %and3A = arith.constant 3 : i32
    %and3A_28 = vector.broadcast %and3A : i32 to vector<2048x1xi32>
    %and3A_29 = arith.andi %shift_right_arithmetic3A_27, %and3A_28 : vector<2048x1xi32>
    %get3A_30 = arith.constant 0 : index
    %get3A_31 = arith.constant 0 : index
    %get3A_32 = vector.load %arg6[%get3A_30, %get3A_31] : memref<1x2048xi32, #tpu.memory_space<vmem>>, vector<1x2048xi32>
    %transpose3A_33 = tpu.transpose %get3A_32, [1, 0] : vector<1x2048xi32> -> vector<2048x1xi32>
    %shift_right_arithmetic3A_34 = arith.constant 12 : i32
    %shift_right_arithmetic3A_35 = vector.broadcast %shift_right_arithmetic3A_34 : i32 to vector<2048x1xi32>
    %shift_right_arithmetic3A_36 = arith.shrsi %transpose3A_33, %shift_right_arithmetic3A_35 : vector<2048x1xi32>
    %and3A_37 = arith.constant 3 : i32
    %and3A_38 = vector.broadcast %and3A_37 : i32 to vector<2048x1xi32>
    %and3A_39 = arith.andi %shift_right_arithmetic3A_36, %and3A_38 : vector<2048x1xi32>
    %broadcast_in_dim3A = arith.constant 0.000000e+00 : f32
    %broadcast_in_dim3A_40 = vector.broadcast %broadcast_in_dim3A : f32 to vector<2048x32xf32>
    %broadcast_in_dim3A_41 = arith.constant 0.000000e+00 : f32
    %broadcast_in_dim3A_42 = vector.broadcast %broadcast_in_dim3A_41 : f32 to vector<2048x32xf32>
    %eq3A = arith.constant 0 : i32
    %eq3A_43 = vector.broadcast %eq3A : i32 to vector<2048x1xi32>
    %eq3A_44 = arith.cmpi eq, %and3A_29, %eq3A_43 : vector<2048x1xi32>
    %slice3A = vector.extract_strided_slice %get3A_18 {offsets = [0, 0], sizes = [2048, 32], strides = [1, 1]} : vector<2048x128xf32> to vector<2048x32xf32>
    %jit3A = arith.constant 0.000000e+00 : f32
    %broadcast_in_dim3A_45 = vector.shape_cast %eq3A_44 : vector<2048x1xi1> to vector<2048x1xi1>
    %broadcast_in_dim3A_46 = vector.broadcast %broadcast_in_dim3A_45 : vector<2048x1xi1> to vector<2048x32xi1>
    %broadcast_in_dim3A_47 = vector.broadcast %jit3A : f32 to vector<2048x32xf32>
    %select_n3A = arith.select %broadcast_in_dim3A_46, %slice3A, %broadcast_in_dim3A_47 : vector<2048x32xi1>, vector<2048x32xf32>
    %add3A = arith.addf %broadcast_in_dim3A_40, %select_n3A : vector<2048x32xf32>
    %eq3A_48 = arith.constant 0 : i32
    %eq3A_49 = vector.broadcast %eq3A_48 : i32 to vector<2048x1xi32>
    %eq3A_50 = arith.cmpi eq, %and3A_39, %eq3A_49 : vector<2048x1xi32>
    %slice3A_51 = vector.extract_strided_slice %get3A_21 {offsets = [0, 0], sizes = [2048, 32], strides = [1, 1]} : vector<2048x128xf32> to vector<2048x32xf32>
    %jit3A_52 = arith.constant 0.000000e+00 : f32
    %broadcast_in_dim3A_53 = vector.shape_cast %eq3A_50 : vector<2048x1xi1> to vector<2048x1xi1>
    %broadcast_in_dim3A_54 = vector.broadcast %broadcast_in_dim3A_53 : vector<2048x1xi1> to vector<2048x32xi1>
    %broadcast_in_dim3A_55 = vector.broadcast %jit3A_52 : f32 to vector<2048x32xf32>
    %select_n3A_56 = arith.select %broadcast_in_dim3A_54, %slice3A_51, %broadcast_in_dim3A_55 : vector<2048x32xi1>, vector<2048x32xf32>
    %add3A_57 = arith.addf %broadcast_in_dim3A_42, %select_n3A_56 : vector<2048x32xf32>
    %eq3A_58 = arith.constant 1 : i32
    %eq3A_59 = vector.broadcast %eq3A_58 : i32 to vector<2048x1xi32>
    %eq3A_60 = arith.cmpi eq, %and3A_29, %eq3A_59 : vector<2048x1xi32>
    %slice3A_61 = vector.extract_strided_slice %get3A_18 {offsets = [0, 32], sizes = [2048, 32], strides = [1, 1]} : vector<2048x128xf32> to vector<2048x32xf32>
    %jit3A_62 = arith.constant 0.000000e+00 : f32
    %broadcast_in_dim3A_63 = vector.shape_cast %eq3A_60 : vector<2048x1xi1> to vector<2048x1xi1>
    %broadcast_in_dim3A_64 = vector.broadcast %broadcast_in_dim3A_63 : vector<2048x1xi1> to vector<2048x32xi1>
    %broadcast_in_dim3A_65 = vector.broadcast %jit3A_62 : f32 to vector<2048x32xf32>
    %select_n3A_66 = arith.select %broadcast_in_dim3A_64, %slice3A_61, %broadcast_in_dim3A_65 : vector<2048x32xi1>, vector<2048x32xf32>
    %add3A_67 = arith.addf %add3A, %select_n3A_66 : vector<2048x32xf32>
    %eq3A_68 = arith.constant 1 : i32
    %eq3A_69 = vector.broadcast %eq3A_68 : i32 to vector<2048x1xi32>
    %eq3A_70 = arith.cmpi eq, %and3A_39, %eq3A_69 : vector<2048x1xi32>
    %slice3A_71 = vector.extract_strided_slice %get3A_21 {offsets = [0, 32], sizes = [2048, 32], strides = [1, 1]} : vector<2048x128xf32> to vector<2048x32xf32>
    %jit3A_72 = arith.constant 0.000000e+00 : f32
    %broadcast_in_dim3A_73 = vector.shape_cast %eq3A_70 : vector<2048x1xi1> to vector<2048x1xi1>
    %broadcast_in_dim3A_74 = vector.broadcast %broadcast_in_dim3A_73 : vector<2048x1xi1> to vector<2048x32xi1>
    %broadcast_in_dim3A_75 = vector.broadcast %jit3A_72 : f32 to vector<2048x32xf32>
    %select_n3A_76 = arith.select %broadcast_in_dim3A_74, %slice3A_71, %broadcast_in_dim3A_75 : vector<2048x32xi1>, vector<2048x32xf32>
    %add3A_77 = arith.addf %add3A_57, %select_n3A_76 : vector<2048x32xf32>
    %eq3A_78 = arith.constant 2 : i32
    %eq3A_79 = vector.broadcast %eq3A_78 : i32 to vector<2048x1xi32>
    %eq3A_80 = arith.cmpi eq, %and3A_29, %eq3A_79 : vector<2048x1xi32>
    %slice3A_81 = vector.extract_strided_slice %get3A_18 {offsets = [0, 64], sizes = [2048, 32], strides = [1, 1]} : vector<2048x128xf32> to vector<2048x32xf32>
    %jit3A_82 = arith.constant 0.000000e+00 : f32
    %broadcast_in_dim3A_83 = vector.shape_cast %eq3A_80 : vector<2048x1xi1> to vector<2048x1xi1>
    %broadcast_in_dim3A_84 = vector.broadcast %broadcast_in_dim3A_83 : vector<2048x1xi1> to vector<2048x32xi1>
    %broadcast_in_dim3A_85 = vector.broadcast %jit3A_82 : f32 to vector<2048x32xf32>
    %select_n3A_86 = arith.select %broadcast_in_dim3A_84, %slice3A_81, %broadcast_in_dim3A_85 : vector<2048x32xi1>, vector<2048x32xf32>
    %add3A_87 = arith.addf %add3A_67, %select_n3A_86 : vector<2048x32xf32>
    %eq3A_88 = arith.constant 2 : i32
    %eq3A_89 = vector.broadcast %eq3A_88 : i32 to vector<2048x1xi32>
    %eq3A_90 = arith.cmpi eq, %and3A_39, %eq3A_89 : vector<2048x1xi32>
    %slice3A_91 = vector.extract_strided_slice %get3A_21 {offsets = [0, 64], sizes = [2048, 32], strides = [1, 1]} : vector<2048x128xf32> to vector<2048x32xf32>
    %jit3A_92 = arith.constant 0.000000e+00 : f32
    %broadcast_in_dim3A_93 = vector.shape_cast %eq3A_90 : vector<2048x1xi1> to vector<2048x1xi1>
    %broadcast_in_dim3A_94 = vector.broadcast %broadcast_in_dim3A_93 : vector<2048x1xi1> to vector<2048x32xi1>
    %broadcast_in_dim3A_95 = vector.broadcast %jit3A_92 : f32 to vector<2048x32xf32>
    %select_n3A_96 = arith.select %broadcast_in_dim3A_94, %slice3A_91, %broadcast_in_dim3A_95 : vector<2048x32xi1>, vector<2048x32xf32>
    %add3A_97 = arith.addf %add3A_77, %select_n3A_96 : vector<2048x32xf32>
    %eq3A_98 = arith.constant 3 : i32
    %eq3A_99 = vector.broadcast %eq3A_98 : i32 to vector<2048x1xi32>
    %eq3A_100 = arith.cmpi eq, %and3A_29, %eq3A_99 : vector<2048x1xi32>
    %slice3A_101 = vector.extract_strided_slice %get3A_18 {offsets = [0, 96], sizes = [2048, 32], strides = [1, 1]} : vector<2048x128xf32> to vector<2048x32xf32>
    %jit3A_102 = arith.constant 0.000000e+00 : f32
    %broadcast_in_dim3A_103 = vector.shape_cast %eq3A_100 : vector<2048x1xi1> to vector<2048x1xi1>
    %broadcast_in_dim3A_104 = vector.broadcast %broadcast_in_dim3A_103 : vector<2048x1xi1> to vector<2048x32xi1>
    %broadcast_in_dim3A_105 = vector.broadcast %jit3A_102 : f32 to vector<2048x32xf32>
    %select_n3A_106 = arith.select %broadcast_in_dim3A_104, %slice3A_101, %broadcast_in_dim3A_105 : vector<2048x32xi1>, vector<2048x32xf32>
    %add3A_107 = arith.addf %add3A_87, %select_n3A_106 : vector<2048x32xf32>
    %eq3A_108 = arith.constant 3 : i32
    %eq3A_109 = vector.broadcast %eq3A_108 : i32 to vector<2048x1xi32>
    %eq3A_110 = arith.cmpi eq, %and3A_39, %eq3A_109 : vector<2048x1xi32>
    %slice3A_111 = vector.extract_strided_slice %get3A_21 {offsets = [0, 96], sizes = [2048, 32], strides = [1, 1]} : vector<2048x128xf32> to vector<2048x32xf32>
    %jit3A_112 = arith.constant 0.000000e+00 : f32
    %broadcast_in_dim3A_113 = vector.shape_cast %eq3A_110 : vector<2048x1xi1> to vector<2048x1xi1>
    %broadcast_in_dim3A_114 = vector.broadcast %broadcast_in_dim3A_113 : vector<2048x1xi1> to vector<2048x32xi1>
    %broadcast_in_dim3A_115 = vector.broadcast %jit3A_112 : f32 to vector<2048x32xf32>
    %select_n3A_116 = arith.select %broadcast_in_dim3A_114, %slice3A_111, %broadcast_in_dim3A_115 : vector<2048x32xi1>, vector<2048x32xf32>
    %add3A_117 = arith.addf %add3A_97, %select_n3A_116 : vector<2048x32xf32>
    %sub3A = arith.subf %transpose3A, %transpose3A_8 : vector<2048x1xf32>
    %mul3A = vector.broadcast %sub3A : vector<2048x1xf32> to vector<2048x32xf32>
    %mul3A_118 = vector.broadcast %get3A_1 : vector<1x32xf32> to vector<2048x32xf32>
    %mul3A_119 = arith.mulf %mul3A, %mul3A_118 : vector<2048x32xf32>
    %add3A_120 = arith.constant 1.000000e+00 : f32
    %add3A_121 = vector.broadcast %add3A_120 : f32 to vector<2048x32xf32>
    %add3A_122 = arith.addf %add3A_121, %mul3A_119 : vector<2048x32xf32>
    %mul3A_123 = arith.mulf %add3A_107, %add3A_122 : vector<2048x32xf32>
    %sub3A_124 = arith.subf %transpose3A, %transpose3A_12 : vector<2048x1xf32>
    %mul3A_125 = vector.broadcast %sub3A_124 : vector<2048x1xf32> to vector<2048x32xf32>
    %mul3A_126 = vector.broadcast %get3A_1 : vector<1x32xf32> to vector<2048x32xf32>
    %mul3A_127 = arith.mulf %mul3A_125, %mul3A_126 : vector<2048x32xf32>
    %add3A_128 = arith.constant 1.000000e+00 : f32
    %add3A_129 = vector.broadcast %add3A_128 : f32 to vector<2048x32xf32>
    %add3A_130 = arith.addf %add3A_129, %mul3A_127 : vector<2048x32xf32>
    %mul3A_131 = arith.mulf %add3A_117, %add3A_130 : vector<2048x32xf32>
    %sub3A_132 = vector.broadcast %get3A_15 : f32 to vector<2048x1xf32>
    %sub3A_133 = arith.subf %sub3A_132, %transpose3A_8 : vector<2048x1xf32>
    %mul3A_134 = vector.broadcast %sub3A_133 : vector<2048x1xf32> to vector<2048x32xf32>
    %mul3A_135 = vector.broadcast %get3A_1 : vector<1x32xf32> to vector<2048x32xf32>
    %mul3A_136 = arith.mulf %mul3A_134, %mul3A_135 : vector<2048x32xf32>
    %add3A_137 = arith.constant 1.000000e+00 : f32
    %add3A_138 = vector.broadcast %add3A_137 : f32 to vector<2048x32xf32>
    %add3A_139 = arith.addf %add3A_138, %mul3A_136 : vector<2048x32xf32>
    %mul3A_140 = arith.mulf %add3A_107, %add3A_139 : vector<2048x32xf32>
    %get3A_141 = arith.constant 0 : index
    %get3A_142 = arith.constant 0 : index
    %get3A_143 = vector.load %arg9[%get3A_141, %get3A_142] : memref<2048x32xf32, #tpu.memory_space<vmem>>, vector<2048x32xf32>
    %concatenate3A = tpu.concatenate %mul3A_123, %mul3A_131, %get3A_143, %mul3A_140 in 1 : vector<2048x32xf32>, vector<2048x32xf32>, vector<2048x32xf32>, vector<2048x32xf32> -> vector<2048x128xf32>
    %get3A_144 = arith.constant 0 : index
    %get3A_145 = arith.constant 0 : index
    %get3A_146 = vector.load %arg11[%get3A_144, %get3A_145] : memref<128x96xf32, #tpu.memory_space<vmem>>, vector<128x96xf32>
    %dot_general3A = arith.constant dense<0.000000e+00> : vector<2048x96xf32>
    %dot_general3A_147 = tpu.matmul %concatenate3A, %get3A_146, %dot_general3A {dimension_numbers = #tpu.dot_dimension_numbers<[1], [0], [0], [1], [0, 0, 1, 1], [], []>, precision = #tpu.contract_precision<fp32>, transpose_lhs_hint = false} : vector<2048x128xf32>, vector<128x96xf32>, vector<2048x96xf32> -> vector<2048x96xf32>
    %get3A_148 = arith.constant 0 : index
    %get3A_149 = arith.constant 0 : index
    %get3A_150 = vector.load %arg12[%get3A_148, %get3A_149] : memref<1x96xf32, #tpu.memory_space<vmem>>, vector<1x96xf32>
    %add3A_151 = vector.broadcast %get3A_150 : vector<1x96xf32> to vector<2048x96xf32>
    %add3A_152 = arith.addf %dot_general3A_147, %add3A_151 : vector<2048x96xf32>
    %slice3A_153 = vector.extract_strided_slice %add3A_152 {offsets = [0, 0], sizes = [2048, 32], strides = [1, 1]} : vector<2048x96xf32> to vector<2048x32xf32>
    %tanh3A = math.tanh %slice3A_153 : vector<2048x32xf32>
    %swap3A = arith.constant 0 : index
    %swap3A_154 = arith.constant 0 : index
    %swap3A_155 = vector.load %arg13[%swap3A, %swap3A_154] : memref<2048x32xf32, #tpu.memory_space<vmem>>, vector<2048x32xf32>
    tpu.vector_store %arg13[%swap3A, %swap3A_154], %tanh3A {strides = array<i32>} : memref<2048x32xf32, #tpu.memory_space<vmem>>, vector<2048x32xf32>,
    %slice3A_156 = vector.extract_strided_slice %add3A_152 {offsets = [0, 32], sizes = [2048, 32], strides = [1, 1]} : vector<2048x96xf32> to vector<2048x32xf32>
    %tanh3A_157 = math.tanh %slice3A_156 : vector<2048x32xf32>
    %swap3A_158 = arith.constant 0 : index
    %swap3A_159 = arith.constant 0 : index
    %swap3A_160 = vector.load %arg14[%swap3A_158, %swap3A_159] : memref<2048x32xf32, #tpu.memory_space<vmem>>, vector<2048x32xf32>
    tpu.vector_store %arg14[%swap3A_158, %swap3A_159], %tanh3A_157 {strides = array<i32>} : memref<2048x32xf32, #tpu.memory_space<vmem>>, vector<2048x32xf32>,
    %slice3A_161 = vector.extract_strided_slice %add3A_152 {offsets = [0, 64], sizes = [2048, 32], strides = [1, 1]} : vector<2048x96xf32> to vector<2048x32xf32>
    %swap3A_162 = arith.constant 0 : index
    %swap3A_163 = arith.constant 0 : index
    %swap3A_164 = vector.load %arg15[%swap3A_162, %swap3A_163] : memref<2048x32xf32, #tpu.memory_space<vmem>>, vector<2048x32xf32>
    tpu.vector_store %arg15[%swap3A_162, %swap3A_163], %slice3A_161 {strides = array<i32>} : memref<2048x32xf32, #tpu.memory_space<vmem>>, vector<2048x32xf32>,
    return
  }
  func.func @transform_0(%arg0: i32) -> (i32, i32) {
    %c0_i32 = arith.constant 0 : i32
    %c0_i32_0 = arith.constant 0 : i32
    %c0_i32_1 = arith.constant 0 : i32
    return %c0_i32, %c0_i32_0 : i32, i32
  }
  func.func @transform_1(%arg0: i32) -> (i32, i32) {
    %c0_i32 = arith.constant 0 : i32
    %c0_i32_0 = arith.constant 0 : i32
    return %c0_i32, %arg0 : i32, i32
  }
  func.func @transform_2(%arg0: i32) -> (i32, i32) {
    %c0_i32 = arith.constant 0 : i32
    %c0_i32_0 = arith.constant 0 : i32
    return %c0_i32, %arg0 : i32, i32
  }
  func.func @transform_3(%arg0: i32) -> (i32, i32) {
    %c0_i32 = arith.constant 0 : i32
    %c0_i32_0 = arith.constant 0 : i32
    return %c0_i32, %arg0 : i32, i32
  }
  func.func @transform_4(%arg0: i32) -> (i32, i32) {
    %c0_i32 = arith.constant 0 : i32
    %c0_i32_0 = arith.constant 0 : i32
    return %c0_i32, %arg0 : i32, i32
  }
  func.func @transform_5(%arg0: i32) -> (i32, i32) {
    %c0_i32 = arith.constant 0 : i32
    %c0_i32_0 = arith.constant 0 : i32
    return %c0_i32, %arg0 : i32, i32
  }
  func.func @transform_6(%arg0: i32) -> (i32, i32) {
    %c0_i32 = arith.constant 0 : i32
    %c0_i32_0 = arith.constant 0 : i32
    return %arg0, %c0_i32 : i32, i32
  }
  func.func @transform_7(%arg0: i32) -> (i32, i32) {
    %c0_i32 = arith.constant 0 : i32
    %c0_i32_0 = arith.constant 0 : i32
    return %arg0, %c0_i32 : i32, i32
  }
  func.func @transform_8(%arg0: i32) -> (i32, i32) {
    %c0_i32 = arith.constant 0 : i32
    %c0_i32_0 = arith.constant 0 : i32
    return %arg0, %c0_i32 : i32, i32
  }
  func.func @transform_9(%arg0: i32) -> (i32, i32) {
    %c0_i32 = arith.constant 0 : i32
    %c0_i32_0 = arith.constant 0 : i32
    %c0_i32_1 = arith.constant 0 : i32
    return %c0_i32, %c0_i32_0 : i32, i32
  }
  func.func @transform_10(%arg0: i32) -> (i32, i32) {
    %c0_i32 = arith.constant 0 : i32
    %c0_i32_0 = arith.constant 0 : i32
    %c0_i32_1 = arith.constant 0 : i32
    return %c0_i32, %c0_i32_0 : i32, i32
  }
  func.func @transform_11(%arg0: i32) -> (i32, i32) {
    %c0_i32 = arith.constant 0 : i32
    %c0_i32_0 = arith.constant 0 : i32
    %c0_i32_1 = arith.constant 0 : i32
    return %c0_i32, %c0_i32_0 : i32, i32
  }
  func.func @transform_12(%arg0: i32) -> (i32, i32) {
    %c0_i32 = arith.constant 0 : i32
    %c0_i32_0 = arith.constant 0 : i32
    return %arg0, %c0_i32 : i32, i32
  }
  func.func @transform_13(%arg0: i32) -> (i32, i32) {
    %c0_i32 = arith.constant 0 : i32
    %c0_i32_0 = arith.constant 0 : i32
    return %arg0, %c0_i32 : i32, i32
  }
  func.func @transform_14(%arg0: i32) -> (i32, i32) {
    %c0_i32 = arith.constant 0 : i32
    %c0_i32_0 = arith.constant 0 : i32
    return %arg0, %c0_i32 : i32, i32
  }
}

</mosaic_0001>

<sc_bundles>
// kernel: kernel.6.cloned.1.call-start
scs
__scs_entry_jumppad:
0x0: {  	(pc) =	sbr.rel $0x88, $3  }
0x1: {  	(tag) =	ssettag $0x0;
	lr =	simm.s32 $0x1  }
0x2: {  	[smem:$0x3F8D] =	sst lr;
	_ =	strace $0xD0000000  }
0x3: {  	_ = 	snop  }
0x4: {  	_ = 	snop  }
0x5: {  	_ = 	snop  }
0x6: {  	_ = 	snop  }
0x7: {  	_ = 	snop  }
__scs_overlays_trampoline_lowered:
0x8: {  	[smem:$0x3F9C] =	sst s0  }
0x9: {  	[smem:$0x3F9D] =	sst s1  }
0xa: {  	[smem:$0x3F9E] =	sst s2  }
0xb: {  	[smem:$0x3F9F] =	sst s3  }
0xc: {  	[smem:$0x3FA0] =	sst s4  }
0xd: {  	[smem:$0x3FA1] =	sst s5  }
0xe: {  	[smem:$0x3FA2] =	sst s6  }
0xf: {  	[smem:$0x3FA3] =	sst s7  }
0x10: {  	[smem:$0x3FA4] =	sst s8  }
0x11: {  	[smem:$0x3FA5] =	sst s9;
	s0 =	simm.s32 @!p0 $0x0  }
0x12: {  	s1 =	sld [smem:$0x3F8B];
	s0 =	simm.s32 @p0 $0x1  }
0x13: {  	[smem:$0x3FA6] =	sst s0;
	s0 =	simm.s32 @!p1 $0x0  }
0x14: {  	s2 =	sld [smem:$0x3F8A];
	s0 =	simm.s32 @p1 $0x1  }
0x15: {  	[smem:$0x3FA7] =	sst s0;
	s0 =	simm.s32 @!p2 $0x0  }
0x16: {  	s3 =	sld [smem:$0x3FDB];
	s0 =	simm.s32 @p2 $0x1  }
0x17: {  	s4 =	simm.s32 $0x1BF5;
	[smem:$0x3FA9] =	sst s0  }
0x18: {  	s0 =	sld [smem:$0x3F8C];
	_ =	swait.ge [sflag:s4], $0x0  }
0x19: {  	s7 =	sld [smem:$0x3F8D]  }
0x1a: {  	s8 =	sadd.s32 $0xFFFFE003, lr  }
0x1b: {  	s9 =	sadd.s32 $0xFFFFFEF7, lr;
	s5 =	simm.s32 $0xFFFFFFFF;
	p2 =	slt.u32 s8, $0xFFFFF086  }
0x1c: {  	p1 =	slt.u32 s9, $0xF7A;
	s5 =	simm.s32 @!p2 $0x0  }
0x1d: {  	s5 =	simm.s32 @p1 $0x1;
	p0 =	seq.s32 s7, s2  }
0x1e: {  	s7 =	smul.u32 @!p0 $0xF7A, s2;
	p2 =	seq.s32 @!p0 s5, $0x0  }
0x1f: {  	s9 =	smul.u32 $0xF7A, s1;
	s8 =	simm.s32 @!p0 $0x1BF5;
	p2 =	por !p2, p0  }
0x20: {  	[sflag:s8] =	ssyncset.s32 @!p0 $0xFFFFF086;
	s6 =	sadd.s32 @!p0 s3, s7;
	s7 =	simm.s32 @!p0 $0x108  }
0x21: {  	s3 =	sadd.s32 s3, s9;
	s6 =	sadd.s32 @!p0 $0x88, s6;
	s7 =	simm.s32 @p2 $0x1082  }
0x22: {  	[simem:s7], [sflag:s8] =	dma.local @!p0 [hbm:s6], $0xF7A  }
0x23: {  	s9 =	sor.u32 $0xD0000000, s2;
	s6 =	simm.s32 $0x108;
	_ =	swait.ge @!p0 [sflag:s8], $0x0  }
0x24: {  	s3 =	sadd.s32 $0x88, s3;
	s6 =	simm.s32 @!p1 $0x1082;
	[sflag:s4] =	ssyncset.s32 $0xFFFFF086  }
0x25: {  	[simem:s6], [sflag:s4] =	dma.local [hbm:s3], $0xF7A  }
0x26: {  	[smem:$0x3F8D] =	sst s1;
	(tag) =	ssettag s2;
	_ =	strace s9  }
0x27: {  	s1 =	sld [smem:$0x3F9D]  }
0x28: {  	s2 =	sld [smem:$0x3F9E]  }
0x29: {  	s4 =	sld [smem:$0x3FA0]  }
0x2a: {  	p0 =	seq.s32 s5, $0x0;
	s5 =	sld [smem:$0x3FA1]  }
0x2b: {  	s6 =	sld [smem:$0x3FA2]  }
0x2c: {  	s7 =	sld [smem:$0x3FA3]  }
0x2d: {  	s3 =	simm.s32 $0x108;
	s8 =	sld [smem:$0x3FA4]  }
0x2e: {  	s3 =	simm.s32 @!p0 $0x1082;
	s9 =	sld [smem:$0x3FA5]  }
0x2f: {  	lr =	sadd.s32 s0, s3;
	s0 =	sld [smem:$0x3F9C]  }
0x30: {  	s3 =	sld [smem:$0x3F9F]  }
0x31: {  	[smem:$0x3FA8] =	sst s10  }
0x32: {  	s10 =	sld [smem:$0x3FA6];
	_ =	sdelay $0x3  }
0x33: {  	p0 =	seq.s32 s10, $0x1;
	s10 =	sld [smem:$0x3FA8];
	_ =	sdelay $0x3  }
0x34: {  	[smem:$0x3FA8] =	sst s10  }
0x35: {  	s10 =	sld [smem:$0x3FA7];
	_ =	sdelay $0x3  }
0x36: {  	p1 =	seq.s32 s10, $0x1;
	s10 =	sld [smem:$0x3FA8];
	_ =	sdelay $0x3  }
0x37: {  	[smem:$0x3FA8] =	sst s10  }
0x38: {  	s10 =	sld [smem:$0x3FA9]  }
0x39: {  	_ = 	snop;
	(pc) =	sbr.ind lr, $3  }
0x3a: {  	_ = 	snop  }
0x3b: {  	_ = 	snop  }
0x3c: {  	p2 =	seq.s32 s10, $0x1;
	s10 =	sld [smem:$0x3FA8]  }
0x3d: {  	_ =	shalt  }
0x3e: {  	_ =	shalt  }
0x3f: {  	_ =	shalt  }
0x40: {  	_ =	shalt  }
0x41: {  	_ =	shalt  }
0x42: {  	_ =	shalt  }
0x43: {  	_ =	shalt  }
0x44: {  	_ =	shalt  }
0x45: {  	_ =	shalt  }
0x46: {  	_ =	shalt  }
0x47: {  	_ =	shalt  }
0x48: {  	_ =	shalt  }
0x49: {  	_ =	shalt  }
0x4a: {  	_ =	shalt  }
0x4b: {  	_ =	shalt  }
0x4c: {  	_ =	shalt  }
0x4d: {  	_ =	shalt  }
0x4e: {  	_ =	shalt  }
0x4f: {  	_ =	shalt  }
0x50: {  	_ =	shalt  }
0x51: {  	_ =	shalt  }
0x52: {  	_ =	shalt  }
0x53: {  	_ =	shalt  }
0x54: {  	_ =	shalt  }
0x55: {  	_ =	shalt  }
0x56: {  	_ =	shalt  }
0x57: {  	_ =	shalt  }
0x58: {  	_ =	shalt  }
0x59: {  	_ =	shalt  }
0x5a: {  	_ =	shalt  }
0x5b: {  	_ =	shalt  }
0x5c: {  	_ =	shalt  }
0x5d: {  	_ =	shalt  }
0x5e: {  	_ =	shalt  }
0x5f: {  	_ =	shalt  }
0x60: {  	_ =	shalt  }
0x61: {  	_ =	shalt  }
0x62: {  	_ =	shalt  }
0x63: {  	_ =	shalt  }
0x64: {  	_ =	shalt  }
0x65: {  	_ =	shalt  }
0x66: {  	_ =	shalt  }
0x67: {  	_ =	shalt  }
0x68: {  	_ =	shalt  }
0x69: {  	_ =	shalt  }
0x6a: {  	_ =	shalt  }
0x6b: {  	_ =	shalt  }
0x6c: {  	_ =	shalt  }
0x6d: {  	_ =	shalt  }
0x6e: {  	_ =	shalt  }
0x6f: {  	_ =	shalt  }
0x70: {  	_ =	shalt  }
0x71: {  	_ =	shalt  }
0x72: {  	_ =	shalt  }
0x73: {  	_ =	shalt  }
0x74: {  	_ =	shalt  }
0x75: {  	_ =	shalt  }
0x76: {  	_ =	shalt  }
0x77: {  	_ =	shalt  }
0x78: {  	_ =	shalt  }
0x79: {  	_ =	shalt  }
0x7a: {  	_ =	shalt  }
0x7b: {  	_ =	shalt  }
0x7c: {  	_ =	shalt  }
0x7d: {  	_ =	shalt  }
0x7e: {  	_ =	shalt  }
0x7f: {  	_ =	shalt  }
0x80: {  	_ =	shalt  }
0x81: {  	_ =	shalt  }
0x82: {  	_ =	shalt  }
0x83: {  	_ =	shalt  }
0x84: {  	_ =	shalt  }
0x85: {  	_ =	shalt  }
0x86: {  	_ =	shalt  }
0x87: {  	_ =	shalt  }
.Lfunc_end0:
.L_simem_size_0:
called_computation_lowered:
.L_overlay_start_0:
0x88: {  	s2 =	sld [smem:$0x3FD9]  }
0x89: {  	s3 =	sld [smem:$0x3FFE];
	_ =	sdelay $0x1  }
0x8a: {  	s1 =	srdreg.scid  }
0x8b: {  	s0 =	sand.u32 $0x1, s1  }
0x8c: {  	s14 =	sshll.u32 s0, $0xA;
	s2 =	sadd.s32 s3, s2  }
0x8d: {  	s2 =	sadd.s32 s2, s14  }
0x8e: {  	[smem:$0x3FB4] =	sst s2  }
0x8f: {  	_ = 	snop  }
0x90: {  	s2 =	sld [smem:$0x3FC9]  }
0x91: {  	s15 =	sld [smem:$0x3FD0]  }
0x92: {  	s4 =	sld [smem:$0x3FC8]  }
0x93: {  	s5 =	sld [smem:$0x3FC2]  }
0x94: {  	s7 =	simm.s32 $0xA;
	s8 =	simm.s32 $0x10;
	s6 =	sld [smem:$0x3FC1]  }
0x95: {  	[smem:s8], [sflag:s7] =	dma.local [hbm:s15], $0x1  }
0x96: {  	_ =	swait.eq [sflag:s7], $0x1  }
0x97: {  	s16 =	sld [smem:$0x10];
	[sflag:s7] =	ssyncset.done $0x0  }
0x98: {  	s17 =	sld [smem:$0x11];
	[sflag:s7] =	ssyncadd.s32 $0xFFFFFFFF  }
0x99: {  	s18 =	sld [smem:$0x12];
	(tm) =	ssettm $0x1  }
0x9a: {  	s9 =	sld [smem:$0x3FFB];
	_ =	sdelay $0x3  }
0x9b: {  	_ =	strace s9  }
0x9c: {  	s9 =	sld [smem:$0x3FFC];
	_ =	sdelay $0x3  }
0x9d: {  	_ =	strace s9  }
0x9e: {  	s9 =	sld [smem:$0x3FFD];
	_ =	sdelay $0x3  }
0x9f: {  	_ =	strace s9  }
0xa0: {  	_ =	strace $0x8FFFFFFF  }
0xa1: {  	s19 =	sld [smem:$0x3FDB];
	_ =	sdelay $0x1  }
0xa2: {  	s10 =	simm.s32 $_scs_section_size  }
0xa3: {  	s11 =	simm.s32 $_size__tile_overlayer_lowered;
	s12 =	simm.s32 $_tile_overlayer_lowered  }
0xa4: {  	s22 =	simm.s32 $0x1BFF;
	s21 =	sshll.u32 s12, $0x1;
	s9 =	sadd.s32 s10, s19  }
0xa5: {  	s13 =	simm.s32 $0x0;
	s20 =	sshll.u32 s11, $0x1;
	s11 =	sadd.s32 s21, s9  }
0xa6: {  	[timem:s13], [sflag:s22] =	dma.local [hbm:s11], s20  }
0xa7: {  	_ =	swait.ge [sflag:s22], s20  }
0xa8: {  	s10 =	ssub.s32 $0x0, s20;
	[sflag:s22] =	ssyncset.done $0x0  }
0xa9: {  	[sflag:s22] =	ssyncadd.s32 s10;
	_ =	sdelay $0x1  }
0xaa: {  	s23 =	simm.s32 $0x1B8B  }
0xab: {  	_ =	swait.ge [sflag:s23], $0x1  }
0xac: {  	[sflag:s23] =	ssyncset.done $0x0  }
0xad: {  	s25 =	simm.s32 $0x1B8E;
	s24 =	sld [smem:$0x3FFE];
	[sflag:s23] =	ssyncadd.s32 $0xFFFFFFFF  }
0xae: {  	s26 =	simm.s32 $execute0_lowered;
	[smem:$0x3FD2] =	sst s25  }
0xaf: {  	s11 =	sshll.u32 s26, $0x1;
	_ =	strace $0x80000046;
	[dreg:$0x1] =	wrdreg $0xFFFFFFFF  }
0xb0: {  	s28 =	simm.s32 $_size_execute0_lowered;
	s9 =	sadd.s32 s9, s11;
	[dreg:$0x0] =	wrdreg $0x0  }
0xb1: {  	s11 =	sshll.u32 s28, $0x1;
	[dreg:$0x2] =	wrdreg s9  }
0xb2: {  	[dreg:$0x3] =	wrdreg s11  }
0xb3: {  	[dreg:$0x4] =	wrdreg $0xC0  }
0xb4: {  	_ =	task [dreg:s13], $0x5FFFF  }
0xb5: {  	[dreg:$0x1] =	wrdreg $0xFFFFFFFF  }
0xb6: {  	[dreg:$0x0] =	wrdreg $0x60  }
0xb7: {  	[dreg:$0x2] =	wrdreg s18  }
0xb8: {  	[dreg:$0x3] =	wrdreg s17  }
0xb9: {  	[dreg:$0x4] =	wrdreg s2  }
0xba: {  	[dreg:$0x5] =	wrdreg s4  }
0xbb: {  	[dreg:$0x6] =	wrdreg s24  }
0xbc: {  	[dreg:$0x7] =	wrdreg s5  }
0xbd: {  	[dreg:$0x8] =	wrdreg s6  }
0xbe: {  	[dreg:$0x9] =	wrdreg s16  }
0xbf: {  	[dreg:$0xa] =	wrdreg $0x9  }
0xc0: {  	_ =	task.clear_ibuf [dreg:s13], $0xBFFFF;
	_ =	strace $0x90000046  }
0xc1: {  	s29 =	simm.s32 $0x9;
	_ =	strace $0x80000048  }
0xc2: {  	_ =	swait.ge [sflag:s29], $0x1  }
0xc3: {  	[sflag:s29] =	ssyncadd.s32 $0xFFFFFFFF  }
0xc4: {  	_ =	strace $0x90000048  }
0xc5: {  	_ =	sfence  }
0xc6: {  	s30 =	sld [smem:$0x0];
	_ =	sdelay $0x2  }
0xc7: {  	s31 =	sshll.u32 s1, $0xD;
	s1 =	sshrl.u32 s1, $0x2  }
0xc8: {  	s3 =	sand.u32 $0x4000, s31;
	s1 =	sadd.s32 s1, s30  }
0xc9: {  	s0 =	sor.u32 s3, s0;
	s1 =	sshll.u32 s1, $0x11  }
0xca: {  	s0 =	sor.u32 s1, s0  }
0xcb: {  	s0 =	sadd.s32 $0x8F2B, s0  }
0xcc: {  	[sflag:s0] =	ssyncadd.remote.s32 $0x1  }
0xcd: {  	_ =	sfence.sel $0xFFFF  }
0xce: {  	[dreg:$0x0] =	wrdreg $0xFFFFFFFF;
	(pc) =	sbr.abs _section_cstart, $3  }
0xcf: {  	[dreg:$0x1] =	wrdreg $0xFFFFFFFF  }
0xd0: {  	_ =	task.clear_ibuf [dreg:s13], $0x2FFFF;
	_ =	strace $0x9FFFFFFF  }
0xd1: {  	(tm) =	ssettm $0x7FFFFFFF  }
tec
execute0_lowered:
.L_overlay_start_1:
0x0: {  	(tag) =	ssettag $0x1  }
0x1: {  	s23 =	rddreg [dreg:$0x0]  }
0x2: {  	s24 =	rddreg [dreg:$0x1]  }
0x3: {  	s5 =	rddreg [dreg:$0x2]  }
0x4: {  	s7 =	rddreg [dreg:$0x3]  }
0x5: {  	s30 =	rddreg [dreg:$0x4];
	s2 =	srdreg.scid  }
0x6: {  	s1 =	rddreg [dreg:$0x5];
	s0 =	stileid.u32;
	s31 =	sand.u32 $0x1, s2  }
0x7: {  	s3 =	rddreg [dreg:$0x6];
	s26 =	sshll.u32 s0, $0xA;
	s6 =	sshll.u32 s31, $0x9  }
0x8: {  	s29 =	rddreg [dreg:$0x7];
	s4 =	simm.s32 $0x0;
	s25 =	sor.u32 s6, s26  }
0x9: {  	[smem:$0x7FF] =	sst s4;
	s2 =	sshrl.u32 s25, $0x3  }
0xa: {  	_ =	strace $0x80000047;
	s6 =	sadd.s32 s5, s2;
	s5 =	simm.s32 $0x3  }
0xb: {  	[tilespmem:s4], [sflag:$0x3] =	stream.linear.gather [hbm4b:s6+s4], $0x200, $0x38;
	[tilespmem:$0x10A00] =	vst v63  }
0xc: {  	_ =	swait.ge [sflag:s5], $0x200  }
0xd: {  	[sflag:s5] =	ssyncset.done $0x0  }
0xe: {  	s8 =	simm.s32 $0x200;
	s7 =	sadd.s32 s7, s2;
	[sflag:s5] =	ssyncadd.s32 $0xFFFFFE00  }
0xf: {  	[tilespmem:s8], [sflag:$0x3] =	stream.linear.gather [hbm4b:s7+s4], $0x200, $0x38;
	[tilespmem:$0x10A00] =	vst v63  }
0x10: {  	_ =	swait.ge [sflag:s5], $0x200  }
0x11: {  	[sflag:s5] =	ssyncset.done $0x0  }
0x12: {  	s9 =	simm.s32 $0x10600;
	[sflag:s5] =	ssyncadd.s32 $0xFFFFFE00  }
0x13: {  	[tilespmem:s9], [sflag:$0x2] =	stream.indirect.gather [hbm4b:s1+s8], $0x1, s4, s8, $0xb8;
	[tilespmem:$0x10A00] =	vst v63  }
0x14: {  	s10 =	simm.s32 $0x10800  }
0x15: {  	[tilespmem:s10], [sflag:$0x2] =	stream.indirect.gather [hbm4b:s3+s8], $0x1, s8, s8, $0xb8;
	[tilespmem:$0x10A00] =	vst v63  }
0x16: {  	s12 =	simm.s32 $0x400;
	s11 =	sadd.s32 s23, s2  }
0x17: {  	[tilespmem:s12], [sflag:$0x3] =	stream.linear.gather [hbm4b:s11+s4], $0x100, $0x38;
	[tilespmem:$0x10A00] =	vst v63  }
0x18: {  	_ =	swait.ge [sflag:s5], $0x100  }
0x19: {  	[sflag:s5] =	ssyncset.done $0x0  }
0x1a: {  	s14 =	simm.s32 $0x500;
	s13 =	sadd.s32 s24, s2;
	[sflag:s5] =	ssyncadd.s32 $0xFFFFFF00  }
0x1b: {  	[tilespmem:s14], [sflag:$0x3] =	stream.linear.gather [hbm4b:s13+s4], $0x100, $0x38;
	[tilespmem:$0x10A00] =	vst v63  }
0x1c: {  	_ =	swait.ge [sflag:s5], $0x100  }
0x1d: {  	s16 =	simm.s32 $0x100;
	[sflag:s5] =	ssyncset.done $0x0  }
0x1e: {  	s17 =	simm.s32 $0x600;
	s15 =	sadd.s32 $0x3000, s30;
	[sflag:s5] =	ssyncadd.s32 $0xFFFFFF00  }
0x1f: {  	[tilespmem:s17], [sflag:$0x1] =	stream.indirect.gather [hbm4b:s15+s16], $0x80, s12, s16, $0xb8;
	[tilespmem:$0x10A00] =	vst v63  }
0x20: {  	s19 =	simm.s32 $0x8600;
	s20 =	simm.s32 $0x1;
	s18 =	sadd.s32 $0x3E3000, s30  }
0x21: {  	[tilespmem:s19], [sflag:$0x1] =	stream.indirect.gather [hbm4b:s18+s16], $0x80, s14, s16, $0xb8;
	[tilespmem:$0x10A00] =	vst v63  }
0x22: {  	_ =	swait.ge [sflag:s20], $0x8000  }
0x23: {  	[sflag:s20] =	ssyncset.done $0x0  }
0x24: {  	[sflag:s20] =	ssyncadd.s32 $0xFFFF8000  }
0x25: {  	_ =	swait.ge [sflag:s20], $0x8000  }
0x26: {  	s26 =	sadd.s32 $0x7C3800, s30;
	s22 =	sshll.u32 s25, $0x4;
	[sflag:s20] =	ssyncset.done $0x0  }
0x27: {  	s21 =	sadd.s32 s26, s22;
	[sflag:s20] =	ssyncadd.s32 $0xFFFF8000  }
0x28: {  	[hbm4b:s21+s4] =	stream.linear.scatter [tilespmem:s17], [sflag:$0x3], $0x8000, $0x38;
	[tilespmem:$0x10A00] =	vst v63  }
0x29: {  	_ =	swait.ge [sflag:s5], $0x8000  }
0x2a: {  	s28 =	sadd.s32 $0x803800, s30;
	[sflag:s5] =	ssyncset.done $0x0  }
0x2b: {  	s22 =	sadd.s32 s28, s22;
	[sflag:s5] =	ssyncadd.s32 $0xFFFF8000  }
0x2c: {  	[hbm4b:s22+s4] =	stream.linear.scatter [tilespmem:s19], [sflag:$0x3], $0x8000, $0x38;
	[tilespmem:$0x10A00] =	vst v63  }
0x2d: {  	s25 =	sor.u32 $0x100, s25;
	_ =	swait.ge [sflag:s5], $0x8000  }
0x2e: {  	s0 =	sshrl.u32 s25, $0x3;
	[sflag:s5] =	ssyncset.done $0x0  }
0x2f: {  	s23 =	sadd.s32 s23, s0;
	[sflag:s5] =	ssyncadd.s32 $0xFFFF8000  }
0x30: {  	[tilespmem:s12], [sflag:$0x3] =	stream.linear.gather [hbm4b:s23+s4], $0x100, $0x38;
	[tilespmem:$0x10A00] =	vst v63  }
0x31: {  	_ =	swait.ge [sflag:s5], $0x100  }
0x32: {  	[sflag:s5] =	ssyncset.done $0x0  }
0x33: {  	s24 =	sadd.s32 s24, s0;
	[sflag:s5] =	ssyncadd.s32 $0xFFFFFF00  }
0x34: {  	[tilespmem:s14], [sflag:$0x3] =	stream.linear.gather [hbm4b:s24+s4], $0x100, $0x38;
	[tilespmem:$0x10A00] =	vst v63  }
0x35: {  	_ =	swait.ge [sflag:s5], $0x100  }
0x36: {  	[sflag:s5] =	ssyncset.done $0x0  }
0x37: {  	[sflag:s5] =	ssyncadd.s32 $0xFFFFFF00  }
0x38: {  	[tilespmem:s17], [sflag:$0x1] =	stream.indirect.gather [hbm4b:s15+s16], $0x80, s12, s16, $0xb8;
	[tilespmem:$0x10A00] =	vst v63  }
0x39: {  	_ = 	snop  }
0x3a: {  	[tilespmem:s19], [sflag:$0x1] =	stream.indirect.gather [hbm4b:s18+s16], $0x80, s14, s16, $0xb8;
	[tilespmem:$0x10A00] =	vst v63  }
0x3b: {  	_ =	swait.ge [sflag:s20], $0x8000  }
0x3c: {  	[sflag:s20] =	ssyncset.done $0x0  }
0x3d: {  	[sflag:s20] =	ssyncadd.s32 $0xFFFF8000  }
0x3e: {  	_ =	swait.ge [sflag:s20], $0x8000  }
0x3f: {  	s0 =	sshll.u32 s25, $0x4;
	[sflag:s20] =	ssyncset.done $0x0  }
0x40: {  	s25 =	sadd.s32 s26, s0;
	[sflag:s20] =	ssyncadd.s32 $0xFFFF8000  }
0x41: {  	[hbm4b:s25+s4] =	stream.linear.scatter [tilespmem:s17], [sflag:$0x3], $0x8000, $0x38;
	[tilespmem:$0x10A00] =	vst v63  }
0x42: {  	_ =	swait.ge [sflag:s5], $0x8000  }
0x43: {  	[sflag:s5] =	ssyncset.done $0x0  }
0x44: {  	s26 =	sadd.s32 s28, s0;
	[sflag:s5] =	ssyncadd.s32 $0xFFFF8000  }
0x45: {  	[hbm4b:s26+s4] =	stream.linear.scatter [tilespmem:s19], [sflag:$0x3], $0x8000, $0x38;
	[tilespmem:$0x10A00] =	vst v63  }
0x46: {  	_ =	swait.ge [sflag:s5], $0x8000  }
0x47: {  	[sflag:s5] =	ssyncset.done $0x0  }
0x48: {  	s28 =	simm.s32 $0x2;
	[sflag:s5] =	ssyncadd.s32 $0xFFFF8000  }
0x49: {  	_ =	swait.ge [sflag:s28], $0x200  }
0x4a: {  	[sflag:s28] =	ssyncset.done $0x0  }
0x4b: {  	s0 =	ssub.s32 $0x2, s31;
	[sflag:s28] =	ssyncadd.s32 $0xFFFFFE00  }
0x4c: {  	s31 =	sshrl.u32 s0, $0x1;
	_ =	swait.ge [sflag:s28], $0x200  }
0x4d: {  	s0 =	ssub.s32 s0, s31;
	[sflag:s28] =	ssyncset.done $0x0  }
0x4e: {  	s29 =	sadd.s32 s29, s2;
	s0 =	smax.u32 s0, $0x1;
	[sflag:s28] =	ssyncadd.s32 $0xFFFFFE00  }
0x4f: {  	[hbm4b:s29+s4] =	stream.linear.scatter [tilespmem:s9], [sflag:$0x3], $0x200, $0x38;
	[tilespmem:$0x10A00] =	vst v63  }
0x50: {  	p0 =	sne.s32 s0, $0x1;
	_ =	swait.ge [sflag:s5], $0x200  }
.Ltmp0:
0x51: {  	s2 =	sadd.s32 s2, s30;
	[sflag:s5] =	ssyncset.done $0x0;
	(pc) =	sbr.rel @!p0 .LBB2_2-.Ltmp0, $4  }
0x52: {  	s30 =	sadd.s32 $0x7C3000, s2;
	[sflag:s5] =	ssyncadd.s32 $0xFFFFFE00  }
0x53: {  	[hbm4b:s30+s4] =	stream.linear.scatter [tilespmem:s10], [sflag:$0x3], $0x200, $0x38;
	[tilespmem:$0x10A00] =	vst v63  }
0x54: {  	_ =	swait.ge [sflag:s5], $0x200  }
0x55: {  	s31 =	sadd.s32 $0xFFFFFFFF, s0;
	[sflag:s5] =	ssyncset.done $0x0  }
.LBB2_1:
0x56: {  	p0 =	sne.s32 s31, $0x1;
	s31 =	sadd.s32 $0xFFFFFFFF, s31;
	[sflag:s5] =	ssyncadd.s32 $0xFFFFFE00  }
0x57: {  	[tilespmem:s4], [sflag:$0x3] =	stream.linear.gather [hbm4b:s6+s4], $0x200, $0x38;
	[tilespmem:$0x10A00] =	vst v63  }
0x58: {  	_ =	swait.ge [sflag:s5], $0x200  }
0x59: {  	[sflag:s5] =	ssyncset.done $0x0  }
0x5a: {  	[sflag:s5] =	ssyncadd.s32 $0xFFFFFE00  }
0x5b: {  	[tilespmem:s8], [sflag:$0x3] =	stream.linear.gather [hbm4b:s7+s4], $0x200, $0x38;
	[tilespmem:$0x10A00] =	vst v63  }
0x5c: {  	_ =	swait.ge [sflag:s5], $0x200  }
0x5d: {  	[sflag:s5] =	ssyncset.done $0x0  }
0x5e: {  	[sflag:s5] =	ssyncadd.s32 $0xFFFFFE00  }
0x5f: {  	[tilespmem:s9], [sflag:$0x2] =	stream.indirect.gather [hbm4b:s1+s8], $0x1, s4, s8, $0xb8;
	[tilespmem:$0x10A00] =	vst v63  }
0x60: {  	_ = 	snop  }
0x61: {  	[tilespmem:s10], [sflag:$0x2] =	stream.indirect.gather [hbm4b:s3+s8], $0x1, s8, s8, $0xb8;
	[tilespmem:$0x10A00] =	vst v63  }
0x62: {  	_ = 	snop  }
0x63: {  	[tilespmem:s12], [sflag:$0x3] =	stream.linear.gather [hbm4b:s11+s4], $0x100, $0x38;
	[tilespmem:$0x10A00] =	vst v63  }
0x64: {  	_ =	swait.ge [sflag:s5], $0x100  }
0x65: {  	[sflag:s5] =	ssyncset.done $0x0  }
0x66: {  	[sflag:s5] =	ssyncadd.s32 $0xFFFFFF00  }
0x67: {  	[tilespmem:s14], [sflag:$0x3] =	stream.linear.gather [hbm4b:s13+s4], $0x100, $0x38;
	[tilespmem:$0x10A00] =	vst v63  }
0x68: {  	_ =	swait.ge [sflag:s5], $0x100  }
0x69: {  	[sflag:s5] =	ssyncset.done $0x0  }
0x6a: {  	[sflag:s5] =	ssyncadd.s32 $0xFFFFFF00  }
0x6b: {  	[tilespmem:s17], [sflag:$0x1] =	stream.indirect.gather [hbm4b:s15+s16], $0x80, s12, s16, $0xb8;
	[tilespmem:$0x10A00] =	vst v63  }
0x6c: {  	_ = 	snop  }
0x6d: {  	[tilespmem:s19], [sflag:$0x1] =	stream.indirect.gather [hbm4b:s18+s16], $0x80, s14, s16, $0xb8;
	[tilespmem:$0x10A00] =	vst v63  }
0x6e: {  	_ =	swait.ge [sflag:s20], $0x8000  }
0x6f: {  	[sflag:s20] =	ssyncset.done $0x0  }
0x70: {  	[sflag:s20] =	ssyncadd.s32 $0xFFFF8000  }
0x71: {  	_ =	swait.ge [sflag:s20], $0x8000  }
0x72: {  	[sflag:s20] =	ssyncset.done $0x0  }
0x73: {  	[sflag:s20] =	ssyncadd.s32 $0xFFFF8000  }
0x74: {  	[hbm4b:s21+s4] =	stream.linear.scatter [tilespmem:s17], [sflag:$0x3], $0x8000, $0x38;
	[tilespmem:$0x10A00] =	vst v63  }
0x75: {  	_ =	swait.ge [sflag:s5], $0x8000  }
0x76: {  	[sflag:s5] =	ssyncset.done $0x0  }
0x77: {  	[sflag:s5] =	ssyncadd.s32 $0xFFFF8000  }
0x78: {  	[hbm4b:s22+s4] =	stream.linear.scatter [tilespmem:s19], [sflag:$0x3], $0x8000, $0x38;
	[tilespmem:$0x10A00] =	vst v63  }
0x79: {  	_ =	swait.ge [sflag:s5], $0x8000  }
0x7a: {  	[sflag:s5] =	ssyncset.done $0x0  }
0x7b: {  	[sflag:s5] =	ssyncadd.s32 $0xFFFF8000  }
0x7c: {  	[tilespmem:s12], [sflag:$0x3] =	stream.linear.gather [hbm4b:s23+s4], $0x100, $0x38;
	[tilespmem:$0x10A00] =	vst v63  }
0x7d: {  	_ =	swait.ge [sflag:s5], $0x100  }
0x7e: {  	[sflag:s5] =	ssyncset.done $0x0  }
0x7f: {  	[sflag:s5] =	ssyncadd.s32 $0xFFFFFF00  }
0x80: {  	[tilespmem:s14], [sflag:$0x3] =	stream.linear.gather [hbm4b:s24+s4], $0x100, $0x38;
	[tilespmem:$0x10A00] =	vst v63  }
0x81: {  	_ =	swait.ge [sflag:s5], $0x100  }
0x82: {  	[sflag:s5] =	ssyncset.done $0x0  }
0x83: {  	[sflag:s5] =	ssyncadd.s32 $0xFFFFFF00  }
0x84: {  	[tilespmem:s17], [sflag:$0x1] =	stream.indirect.gather [hbm4b:s15+s16], $0x80, s12, s16, $0xb8;
	[tilespmem:$0x10A00] =	vst v63  }
0x85: {  	_ = 	snop  }
0x86: {  	[tilespmem:s19], [sflag:$0x1] =	stream.indirect.gather [hbm4b:s18+s16], $0x80, s14, s16, $0xb8;
	[tilespmem:$0x10A00] =	vst v63  }
0x87: {  	_ =	swait.ge [sflag:s20], $0x8000  }
0x88: {  	[sflag:s20] =	ssyncset.done $0x0  }
0x89: {  	[sflag:s20] =	ssyncadd.s32 $0xFFFF8000  }
0x8a: {  	_ =	swait.ge [sflag:s20], $0x8000  }
0x8b: {  	[sflag:s20] =	ssyncset.done $0x0  }
0x8c: {  	[sflag:s20] =	ssyncadd.s32 $0xFFFF8000  }
0x8d: {  	[hbm4b:s25+s4] =	stream.linear.scatter [tilespmem:s17], [sflag:$0x3], $0x8000, $0x38;
	[tilespmem:$0x10A00] =	vst v63  }
0x8e: {  	_ =	swait.ge [sflag:s5], $0x8000  }
0x8f: {  	[sflag:s5] =	ssyncset.done $0x0  }
0x90: {  	[sflag:s5] =	ssyncadd.s32 $0xFFFF8000  }
0x91: {  	[hbm4b:s26+s4] =	stream.linear.scatter [tilespmem:s19], [sflag:$0x3], $0x8000, $0x38;
	[tilespmem:$0x10A00] =	vst v63  }
0x92: {  	_ =	swait.ge [sflag:s5], $0x8000  }
0x93: {  	[sflag:s5] =	ssyncset.done $0x0  }
0x94: {  	[sflag:s5] =	ssyncadd.s32 $0xFFFF8000  }
0x95: {  	_ =	swait.ge [sflag:s28], $0x200  }
0x96: {  	[sflag:s28] =	ssyncset.done $0x0  }
0x97: {  	[sflag:s28] =	ssyncadd.s32 $0xFFFFFE00  }
0x98: {  	_ =	swait.ge [sflag:s28], $0x200  }
0x99: {  	[sflag:s28] =	ssyncset.done $0x0  }
0x9a: {  	[sflag:s28] =	ssyncadd.s32 $0xFFFFFE00  }
0x9b: {  	[hbm4b:s29+s4] =	stream.linear.scatter [tilespmem:s9], [sflag:$0x3], $0x200, $0x38;
	[tilespmem:$0x10A00] =	vst v63  }
0x9c: {  	_ =	swait.ge [sflag:s5], $0x200  }
.Ltmp1:
0x9d: {  	[sflag:s5] =	ssyncset.done $0x0;
	(pc) =	sbr.rel @p0 .LBB2_1-.Ltmp1, $4  }
0x9e: {  	[sflag:s5] =	ssyncadd.s32 $0xFFFFFE00  }
0x9f: {  	[hbm4b:s30+s4] =	stream.linear.scatter [tilespmem:s10], [sflag:$0x3], $0x200, $0x38;
	[tilespmem:$0x10A00] =	vst v63  }
0xa0: {  	_ =	swait.ge [sflag:s5], $0x200  }
0xa1: {  	[sflag:s5] =	ssyncset.done $0x0  }
.LBB2_2:
0xa2: {  	[sflag:s5] =	ssyncadd.s32 $0xFFFFFE00  }
0xa3: {  	_ =	sfence.sel $0x180000  }
0xa4: {  	[bflag:$0x0] =	sbarrier.arrive $0xFFFF  }
0xa5: {  	_ =	strace $0x90000047  }
0xa6: {  	s0 =	stileid.u32;
	[bflag:$0x2] =	sbarrier.arrive $0xFFFF  }
0xa7: {  	p0 =	sne.s32 s0, $0x0;
	s0 =	rddreg [dreg:$0x8]  }
0xa8: {  	s0 =	sadd.s32 @!p0 $0x100000, s0  }
0xa9: {  	[sflag:s0] =	ssyncadd.tile.s32 @!p0 $0x1;
	_ =	shalt  }
.Lfunc_end2:
_tile_overlayer_lowered:
.L_overlay_start_2:
0xaa: {  	(tag) =	ssettag $0x2  }
0xab: {  	s0 =	rddreg [dreg:$0x0];
	s2 =	stileid.u32  }
0xac: {  	s1 =	rddreg [dreg:$0x1];
	p0 =	sne.s32 s2, $0x0  }
0xad: {  	s3 =	rddreg [dreg:$0x2];
	[bflag:$0x3] =	sbarrier.arrive $0xFFFF;
	s2 =	simm.s32 @!p0 $0x1C03  }
0xae: {  	[timem:s3], [sflag:s2] =	dma.local @!p0 [hbm:s0], s1  }
0xaf: {  	s0 =	simm.s32 @!p0 $0x3  }
0xb0: {  	_ =	swait.ge @!p0 [sflag:s0], s1  }
0xb1: {  	s1 =	ssub.s32 @!p0 $0x0, s1;
	[sflag:s0] =	ssyncset.done @!p0 $0x0  }
0xb2: {  	[sflag:s0] =	ssyncadd.s32 @!p0 s1  }
0xb3: {  	[bflag:$0x3] =	sbarrier.arrive $0xFFFF  }
0xb4: {  	_ =	shalt  }

</sc_bundles>
